<compile_context>
chip_gen: v7x
topology: tpu7x:2x2x1
jax: 0.10.2.dev20260603
libtpu: 0.0.44.dev20260713+nightly
codegen_flags: <defaults>
</compile_context>

<pallas_src>
import functools

import jax
import jax.numpy as jnp
from jax import lax
from jax.experimental import pallas as pl
from jax.experimental.pallas import tpu as pltpu
from jax.experimental.pallas import tpu_sc as plsc

_V = 1000
_N = 16 * 2048
_NC, _NS, _L = 2, 16, 16
_NW = _NC * _NS
_RPW = _N // _NW
_CH = 64
_NCH = _RPW // _CH


def _rowlse_kernel(c_ref, lse_ref):
    x = c_ref[...]
    m = jnp.max(x, axis=1)
    lse_ref[...] = jnp.log(jnp.sum(jnp.exp(x - m[:, None]), axis=1)) + m


def _sc_body(c_hbm, idx_hbm, tgt_hbm, lse_hbm, out_hbm, part_hbm,
             idx_v, tgt_v, lse_v, rows_v, acc_v, sem):
    wid = lax.axis_index("s") * _NC + lax.axis_index("c")
    base = wid * _RPW
    pltpu.sync_copy(idx_hbm.at[pl.ds(base, _RPW)], idx_v)
    pltpu.sync_copy(tgt_hbm.at[pl.ds(base, _RPW)], tgt_v)
    pltpu.sync_copy(lse_hbm, lse_v)
    acc = jnp.zeros((_L,), jnp.float32)
    for c in range(_NCH):
        pltpu.async_copy(
            c_hbm.at[idx_v.at[pl.ds(c * _CH, _CH)]], rows_v, sem).wait()
        for g in range(_CH // _L):
            off = c * _CH + g * _L
            rvec = lax.iota(jnp.int32, _L) + g * _L
            cvec = tgt_v[pl.ds(off, _L)]
            ivec = idx_v[pl.ds(off, _L)]
            picked = plsc.load_gather(rows_v, [rvec, cvec])
            lse_g = plsc.load_gather(lse_v, [ivec])
            acc = acc + lse_g - picked
        pltpu.sync_copy(rows_v, out_hbm.at[pl.ds(base + c * _CH, _CH)])
    acc_v[...] = acc
    pltpu.sync_copy(acc_v, part_hbm.at[wid])


_sc_call = functools.partial(
    pl.kernel,
    mesh=plsc.VectorSubcoreMesh(core_axis_name="c", subcore_axis_name="s"),
    compiler_params=pltpu.CompilerParams(
        use_tc_tiling_on_sc=False, needs_layout_passes=False),
    out_type=[
        jax.ShapeDtypeStruct((_N, _V), jnp.float32),
        jax.ShapeDtypeStruct((_NW, _L), jnp.float32),
    ],
    scratch_types=[
        pltpu.VMEM((_RPW,), jnp.int32),
        pltpu.VMEM((_RPW,), jnp.int32),
        pltpu.VMEM((_V,), jnp.float32),
        pltpu.VMEM((_CH, _V), jnp.float32),
        pltpu.VMEM((_L,), jnp.float32),
        pltpu.SemaphoreType.DMA,
    ],
)(_sc_body)


def kernel(input, targets, C):
    inp_f = input.reshape(-1).astype(jnp.int32)
    tgt_f = targets.reshape(-1).astype(jnp.int32)
    rowlse = pl.pallas_call(
        _rowlse_kernel,
        out_shape=jax.ShapeDtypeStruct((_V,), jnp.float32),
    )(C)
    logits, part = _sc_call(C, inp_f, tgt_f, rowlse)
    loss = jnp.sum(part) / jnp.float32(_N)
    return (logits, loss)

# --- scband reference (transcript-rebuilt; emitter-appended) ---
"""Pipeline reference for scband-bigram-language-model-21457656611025 (READ-ONLY COPY).

The authoritative reference and input builder live on the scoring server;
editing this copy changes nothing except your own understanding.
"""

import jax, jax.numpy as jnp
import numpy as np

SIZE_VOCAB = 1000
B, T = 16, 2048


def setup_inputs(seed: int = 0) -> dict:
    key = jax.random.key(seed)
    k1, k2, k3 = jax.random.split(key, 3)
    inp = jax.random.randint(k1, (B, T), 0, SIZE_VOCAB, dtype=jnp.int64)
    targets = jax.random.randint(k2, (B, T), 0, SIZE_VOCAB, dtype=jnp.int64)
    # Embedding table C: [vocab, vocab], matches torch.nn.Embedding default init N(0,1)
    C = jax.random.normal(k3, (SIZE_VOCAB, SIZE_VOCAB), dtype=jnp.float32)
    return {"input": inp, "targets": targets, "C": C}


def reference(input, targets, C):
    # logits = C[input] : gather rows of embedding table -> [B, T, V]
    logits = jnp.take(C, input, axis=0)
    b, t, v = logits.shape
    logits2 = logits.reshape(b * t, v)
    tgt = targets.reshape(b * t)
    # cross_entropy = mean( logsumexp(logits) - logits[target] )
    logZ = jax.nn.logsumexp(logits2, axis=-1)
    picked = jnp.take_along_axis(logits2, tgt[:, None], axis=1)[:, 0]
    loss = jnp.mean(logZ - picked)
    return (logits2, loss)

if __name__ == "__main__":
    import jax
    _d = setup_inputs()
    print(jax.jit(kernel)(*tuple(_d.values())))

</pallas_src>

<mosaic_0001>
#map = affine_map<(d0, d1) -> (0, 0)>
#map1 = affine_map<(d0, d1) -> (0)>
module attributes {stable_mosaic.version = 14 : i64} {
  func.func @_sc_body(%arg0: i32, %arg1: i32, %arg2: memref<1000x1000xf32, #tpu.memory_space<hbm>>, %arg3: memref<32768xi32, #tpu.memory_space<hbm>>, %arg4: memref<32768xi32, #tpu.memory_space<hbm>>, %arg5: memref<1000xf32, #tpu.memory_space<hbm>>, %arg6: memref<32768x1000xf32, #tpu.memory_space<hbm>>, %arg7: memref<32x16xf32, #tpu.memory_space<hbm>>, %arg8: memref<1024xi32, #tpu.memory_space<vmem>>, %arg9: memref<1024xi32, #tpu.memory_space<vmem>>, %arg10: memref<1000xf32, #tpu.memory_space<vmem>>, %arg11: memref<64x1000xf32, #tpu.memory_space<vmem>>, %arg12: memref<16xf32, #tpu.memory_space<vmem>>, %arg13: memref<!tpu.dma_semaphore, #tpu.memory_space<semaphore_mem>>) attributes {dimension_semantics = [#tpu.dimension_semantics<core_parallel>, #tpu.dimension_semantics<subcore_parallel>], iteration_bounds = array<i64: 2, 16>, scalar_prefetch = 0 : i64, scratch_operands = 6 : i64, tpu.core_type = #tpu.core_type<sc_vector_subcore>, window_params = [{transform_indices = #map}, {transform_indices = #map1}, {transform_indices = #map1}, {transform_indices = #map1}, {transform_indices = #map}, {transform_indices = #map}]} {
    %mul3A = arith.constant 2 : i32
    %mul3A_0 = arith.muli %arg1, %mul3A : i32
    %add3A = arith.addi %mul3A_0, %arg0 : i32
    %mul3A_1 = arith.constant 1024 : i32
    %mul3A_2 = arith.muli %add3A, %mul3A_1 : i32
    "tpu.region"() ({
      %run_scoped3A = tpu.sem_alloc : memref<!tpu.dma_semaphore, #tpu.memory_space<semaphore_mem>>
      %dma_start3A_959 = tpu.memref_slice %arg3[%mul3A_2] : memref<32768xi32, #tpu.memory_space<hbm>> -> memref<1024xi32, #tpu.memory_space<hbm>>
      %dma_start3A_960 = tpu.memref_slice %arg3[%mul3A_2] : memref<32768xi32, #tpu.memory_space<hbm>> -> memref<1024xi32, #tpu.memory_space<hbm>>
      tpu.enqueue_dma source(%dma_start3A_960 : memref<1024xi32, #tpu.memory_space<hbm>>) target(%arg8 : memref<1024xi32, #tpu.memory_space<vmem>>) target_semaphore(%run_scoped3A : memref<!tpu.dma_semaphore, #tpu.memory_space<semaphore_mem>>)
      %dma_wait3A_961 = tpu.memref_slice %arg3[%mul3A_2] : memref<32768xi32, #tpu.memory_space<hbm>> -> memref<1024xi32, #tpu.memory_space<hbm>>
      %dma_wait3A_962 = tpu.memref_slice %arg3[%mul3A_2] : memref<32768xi32, #tpu.memory_space<hbm>> -> memref<1024xi32, #tpu.memory_space<hbm>>
      tpu.wait_dma2 semaphore(%run_scoped3A : memref<!tpu.dma_semaphore, #tpu.memory_space<semaphore_mem>>) src(%dma_wait3A_962 : memref<1024xi32, #tpu.memory_space<hbm>>) dst(%arg8 : memref<1024xi32, #tpu.memory_space<vmem>>)
      tpu.yield
    }) : () -> ()
    "tpu.region"() ({
      %run_scoped3A = tpu.sem_alloc : memref<!tpu.dma_semaphore, #tpu.memory_space<semaphore_mem>>
      %dma_start3A_959 = tpu.memref_slice %arg4[%mul3A_2] : memref<32768xi32, #tpu.memory_space<hbm>> -> memref<1024xi32, #tpu.memory_space<hbm>>
      %dma_start3A_960 = tpu.memref_slice %arg4[%mul3A_2] : memref<32768xi32, #tpu.memory_space<hbm>> -> memref<1024xi32, #tpu.memory_space<hbm>>
      tpu.enqueue_dma source(%dma_start3A_960 : memref<1024xi32, #tpu.memory_space<hbm>>) target(%arg9 : memref<1024xi32, #tpu.memory_space<vmem>>) target_semaphore(%run_scoped3A : memref<!tpu.dma_semaphore, #tpu.memory_space<semaphore_mem>>)
      %dma_wait3A_961 = tpu.memref_slice %arg4[%mul3A_2] : memref<32768xi32, #tpu.memory_space<hbm>> -> memref<1024xi32, #tpu.memory_space<hbm>>
      %dma_wait3A_962 = tpu.memref_slice %arg4[%mul3A_2] : memref<32768xi32, #tpu.memory_space<hbm>> -> memref<1024xi32, #tpu.memory_space<hbm>>
      tpu.wait_dma2 semaphore(%run_scoped3A : memref<!tpu.dma_semaphore, #tpu.memory_space<semaphore_mem>>) src(%dma_wait3A_962 : memref<1024xi32, #tpu.memory_space<hbm>>) dst(%arg9 : memref<1024xi32, #tpu.memory_space<vmem>>)
      tpu.yield
    }) : () -> ()
    "tpu.region"() ({
      %run_scoped3A = tpu.sem_alloc : memref<!tpu.dma_semaphore, #tpu.memory_space<semaphore_mem>>
      tpu.enqueue_dma source(%arg5 : memref<1000xf32, #tpu.memory_space<hbm>>) target(%arg10 : memref<1000xf32, #tpu.memory_space<vmem>>) target_semaphore(%run_scoped3A : memref<!tpu.dma_semaphore, #tpu.memory_space<semaphore_mem>>)
      tpu.wait_dma2 semaphore(%run_scoped3A : memref<!tpu.dma_semaphore, #tpu.memory_space<semaphore_mem>>) src(%arg5 : memref<1000xf32, #tpu.memory_space<hbm>>) dst(%arg10 : memref<1000xf32, #tpu.memory_space<vmem>>)
      tpu.yield
    }) : () -> ()
    %broadcast_in_dim3A = arith.constant 0.000000e+00 : f32
    %broadcast_in_dim3A_3 = vector.broadcast %broadcast_in_dim3A : f32 to vector<16xf32>
    %dma_start3A = arith.constant 0 : i32
    %dma_start3A_4 = tpu.memref_slice %arg8[%dma_start3A] : memref<1024xi32, #tpu.memory_space<vmem>> -> memref<64xi32, #tpu.memory_space<vmem>>
    %dma_start3A_5 = arith.constant 0 : i32
    %dma_start3A_6 = arith.constant 0 : i32
    %dma_start3A_7 = tpu.memref_slice %arg2[%dma_start3A_5, %dma_start3A_6] : memref<1000x1000xf32, #tpu.memory_space<hbm>> -> memref<1000x1000xf32, #tpu.memory_space<hbm>>
    tpu.enqueue_indirect_dma source(%dma_start3A_7 : memref<1000x1000xf32, #tpu.memory_space<hbm>>) target(%arg11 : memref<64x1000xf32, #tpu.memory_space<vmem>>) offsets(%dma_start3A_4 : memref<64xi32, #tpu.memory_space<vmem>>) semaphore(%arg13 : memref<!tpu.dma_semaphore, #tpu.memory_space<semaphore_mem>>)
    %dma_wait3A = arith.constant 0 : i32
    %dma_wait3A_8 = tpu.memref_slice %arg8[%dma_wait3A] : memref<1024xi32, #tpu.memory_space<vmem>> -> memref<64xi32, #tpu.memory_space<vmem>>
    %dma_wait3A_9 = arith.constant 0 : i32
    %dma_wait3A_10 = arith.constant 0 : i32
    %dma_wait3A_11 = tpu.memref_slice %arg2[%dma_wait3A_9, %dma_wait3A_10] : memref<1000x1000xf32, #tpu.memory_space<hbm>> -> memref<1000x1000xf32, #tpu.memory_space<hbm>>
    tpu.wait_indirect_dma semaphore(%arg13 : memref<!tpu.dma_semaphore, #tpu.memory_space<semaphore_mem>>) src(%dma_wait3A_11 : memref<1000x1000xf32, #tpu.memory_space<hbm>>) dst(%arg11 : memref<64x1000xf32, #tpu.memory_space<vmem>>)
    %iota3A = tpu.iota {dimensions = array<i32: 0>} : vector<16xi32>
    %add3A_12 = arith.constant 0 : i32
    %add3A_13 = vector.broadcast %add3A_12 : i32 to vector<16xi32>
    %add3A_14 = arith.addi %iota3A, %add3A_13 : vector<16xi32>
    %get3A = arith.constant 0 : index
    %get3A_15 = tpu.vector_load %arg9[%get3A] {strides = array<i32>} : memref<1024xi32, #tpu.memory_space<vmem>>, vector<16xi32>,
    %get3A_16 = arith.constant 0 : index
    %get3A_17 = tpu.vector_load %arg8[%get3A_16] {strides = array<i32>} : memref<1024xi32, #tpu.memory_space<vmem>>, vector<16xi32>,
    %gather3A = tpu.vector_load_idx %arg11[%add3A_14, %get3A_15] : memref<64x1000xf32, #tpu.memory_space<vmem>>[vector<16xi32>, vector<16xi32>], vector<16xf32>,
    %gather3A_18 = tpu.vector_load_idx %arg10[%get3A_17] : memref<1000xf32, #tpu.memory_space<vmem>>[vector<16xi32>], vector<16xf32>,
    %add3A_19 = arith.addf %broadcast_in_dim3A_3, %gather3A_18 : vector<16xf32>
    %sub3A = arith.subf %add3A_19, %gather3A : vector<16xf32>
    %iota3A_20 = tpu.iota {dimensions = array<i32: 0>} : vector<16xi32>
    %add3A_21 = arith.constant 16 : i32
    %add3A_22 = vector.broadcast %add3A_21 : i32 to vector<16xi32>
    %add3A_23 = arith.addi %iota3A_20, %add3A_22 : vector<16xi32>
    %get3A_24 = arith.constant 16 : index
    %get3A_25 = tpu.vector_load %arg9[%get3A_24] {strides = array<i32>} : memref<1024xi32, #tpu.memory_space<vmem>>, vector<16xi32>,
    %get3A_26 = arith.constant 16 : index
    %get3A_27 = tpu.vector_load %arg8[%get3A_26] {strides = array<i32>} : memref<1024xi32, #tpu.memory_space<vmem>>, vector<16xi32>,
    %gather3A_28 = tpu.vector_load_idx %arg11[%add3A_23, %get3A_25] : memref<64x1000xf32, #tpu.memory_space<vmem>>[vector<16xi32>, vector<16xi32>], vector<16xf32>,
    %gather3A_29 = tpu.vector_load_idx %arg10[%get3A_27] : memref<1000xf32, #tpu.memory_space<vmem>>[vector<16xi32>], vector<16xf32>,
    %add3A_30 = arith.addf %sub3A, %gather3A_29 : vector<16xf32>
    %sub3A_31 = arith.subf %add3A_30, %gather3A_28 : vector<16xf32>
    %iota3A_32 = tpu.iota {dimensions = array<i32: 0>} : vector<16xi32>
    %add3A_33 = arith.constant 32 : i32
    %add3A_34 = vector.broadcast %add3A_33 : i32 to vector<16xi32>
    %add3A_35 = arith.addi %iota3A_32, %add3A_34 : vector<16xi32>
    %get3A_36 = arith.constant 32 : index
    %get3A_37 = tpu.vector_load %arg9[%get3A_36] {strides = array<i32>} : memref<1024xi32, #tpu.memory_space<vmem>>, vector<16xi32>,
    %get3A_38 = arith.constant 32 : index
    %get3A_39 = tpu.vector_load %arg8[%get3A_38] {strides = array<i32>} : memref<1024xi32, #tpu.memory_space<vmem>>, vector<16xi32>,
    %gather3A_40 = tpu.vector_load_idx %arg11[%add3A_35, %get3A_37] : memref<64x1000xf32, #tpu.memory_space<vmem>>[vector<16xi32>, vector<16xi32>], vector<16xf32>,
    %gather3A_41 = tpu.vector_load_idx %arg10[%get3A_39] : memref<1000xf32, #tpu.memory_space<vmem>>[vector<16xi32>], vector<16xf32>,
    %add3A_42 = arith.addf %sub3A_31, %gather3A_41 : vector<16xf32>
    %sub3A_43 = arith.subf %add3A_42, %gather3A_40 : vector<16xf32>
    %iota3A_44 = tpu.iota {dimensions = array<i32: 0>} : vector<16xi32>
    %add3A_45 = arith.constant 48 : i32
    %add3A_46 = vector.broadcast %add3A_45 : i32 to vector<16xi32>
    %add3A_47 = arith.addi %iota3A_44, %add3A_46 : vector<16xi32>
    %get3A_48 = arith.constant 48 : index
    %get3A_49 = tpu.vector_load %arg9[%get3A_48] {strides = array<i32>} : memref<1024xi32, #tpu.memory_space<vmem>>, vector<16xi32>,
    %get3A_50 = arith.constant 48 : index
    %get3A_51 = tpu.vector_load %arg8[%get3A_50] {strides = array<i32>} : memref<1024xi32, #tpu.memory_space<vmem>>, vector<16xi32>,
    %gather3A_52 = tpu.vector_load_idx %arg11[%add3A_47, %get3A_49] : memref<64x1000xf32, #tpu.memory_space<vmem>>[vector<16xi32>, vector<16xi32>], vector<16xf32>,
    %gather3A_53 = tpu.vector_load_idx %arg10[%get3A_51] : memref<1000xf32, #tpu.memory_space<vmem>>[vector<16xi32>], vector<16xf32>,
    %add3A_54 = arith.addf %sub3A_43, %gather3A_53 : vector<16xf32>
    %sub3A_55 = arith.subf %add3A_54, %gather3A_52 : vector<16xf32>
    %add3A_56 = arith.constant 0 : i32
    %add3A_57 = arith.addi %mul3A_2, %add3A_56 : i32
    "tpu.region"() ({
      %run_scoped3A = tpu.sem_alloc : memref<!tpu.dma_semaphore, #tpu.memory_space<semaphore_mem>>
      %dma_start3A_959 = arith.constant 0 : i32
      %dma_start3A_960 = tpu.memref_slice %arg6[%add3A_57, %dma_start3A_959] : memref<32768x1000xf32, #tpu.memory_space<hbm>> -> memref<64x1000xf32, #tpu.memory_space<hbm>>
      %dma_start3A_961 = arith.constant 0 : i32
      %dma_start3A_962 = tpu.memref_slice %arg6[%add3A_57, %dma_start3A_961] : memref<32768x1000xf32, #tpu.memory_space<hbm>> -> memref<64x1000xf32, #tpu.memory_space<hbm>>
      tpu.enqueue_dma source(%arg11 : memref<64x1000xf32, #tpu.memory_space<vmem>>) target(%dma_start3A_962 : memref<64x1000xf32, #tpu.memory_space<hbm>>) target_semaphore(%run_scoped3A : memref<!tpu.dma_semaphore, #tpu.memory_space<semaphore_mem>>)
      %dma_wait3A_963 = arith.constant 0 : i32
      %dma_wait3A_964 = tpu.memref_slice %arg6[%add3A_57, %dma_wait3A_963] : memref<32768x1000xf32, #tpu.memory_space<hbm>> -> memref<64x1000xf32, #tpu.memory_space<hbm>>
      %dma_wait3A_965 = arith.constant 0 : i32
      %dma_wait3A_966 = tpu.memref_slice %arg6[%add3A_57, %dma_wait3A_965] : memref<32768x1000xf32, #tpu.memory_space<hbm>> -> memref<64x1000xf32, #tpu.memory_space<hbm>>
      tpu.wait_dma2 semaphore(%run_scoped3A : memref<!tpu.dma_semaphore, #tpu.memory_space<semaphore_mem>>) src(%arg11 : memref<64x1000xf32, #tpu.memory_space<vmem>>) dst(%dma_wait3A_966 : memref<64x1000xf32, #tpu.memory_space<hbm>>)
      tpu.yield
    }) : () -> ()
    %dma_start3A_58 = arith.constant 64 : i32
    %dma_start3A_59 = tpu.memref_slice %arg8[%dma_start3A_58] : memref<1024xi32, #tpu.memory_space<vmem>> -> memref<64xi32, #tpu.memory_space<vmem>>
    %dma_start3A_60 = arith.constant 0 : i32
    %dma_start3A_61 = arith.constant 0 : i32
    %dma_start3A_62 = tpu.memref_slice %arg2[%dma_start3A_60, %dma_start3A_61] : memref<1000x1000xf32, #tpu.memory_space<hbm>> -> memref<1000x1000xf32, #tpu.memory_space<hbm>>
    tpu.enqueue_indirect_dma source(%dma_start3A_62 : memref<1000x1000xf32, #tpu.memory_space<hbm>>) target(%arg11 : memref<64x1000xf32, #tpu.memory_space<vmem>>) offsets(%dma_start3A_59 : memref<64xi32, #tpu.memory_space<vmem>>) semaphore(%arg13 : memref<!tpu.dma_semaphore, #tpu.memory_space<semaphore_mem>>)
    %dma_wait3A_63 = arith.constant 64 : i32
    %dma_wait3A_64 = tpu.memref_slice %arg8[%dma_wait3A_63] : memref<1024xi32, #tpu.memory_space<vmem>> -> memref<64xi32, #tpu.memory_space<vmem>>
    %dma_wait3A_65 = arith.constant 0 : i32
    %dma_wait3A_66 = arith.constant 0 : i32
    %dma_wait3A_67 = tpu.memref_slice %arg2[%dma_wait3A_65, %dma_wait3A_66] : memref<1000x1000xf32, #tpu.memory_space<hbm>> -> memref<1000x1000xf32, #tpu.memory_space<hbm>>
    tpu.wait_indirect_dma semaphore(%arg13 : memref<!tpu.dma_semaphore, #tpu.memory_space<semaphore_mem>>) src(%dma_wait3A_67 : memref<1000x1000xf32, #tpu.memory_space<hbm>>) dst(%arg11 : memref<64x1000xf32, #tpu.memory_space<vmem>>)
    %iota3A_68 = tpu.iota {dimensions = array<i32: 0>} : vector<16xi32>
    %add3A_69 = arith.constant 0 : i32
    %add3A_70 = vector.broadcast %add3A_69 : i32 to vector<16xi32>
    %add3A_71 = arith.addi %iota3A_68, %add3A_70 : vector<16xi32>
    %get3A_72 = arith.constant 64 : index
    %get3A_73 = tpu.vector_load %arg9[%get3A_72] {strides = array<i32>} : memref<1024xi32, #tpu.memory_space<vmem>>, vector<16xi32>,
    %get3A_74 = arith.constant 64 : index
    %get3A_75 = tpu.vector_load %arg8[%get3A_74] {strides = array<i32>} : memref<1024xi32, #tpu.memory_space<vmem>>, vector<16xi32>,
    %gather3A_76 = tpu.vector_load_idx %arg11[%add3A_71, %get3A_73] : memref<64x1000xf32, #tpu.memory_space<vmem>>[vector<16xi32>, vector<16xi32>], vector<16xf32>,
    %gather3A_77 = tpu.vector_load_idx %arg10[%get3A_75] : memref<1000xf32, #tpu.memory_space<vmem>>[vector<16xi32>], vector<16xf32>,
    %add3A_78 = arith.addf %sub3A_55, %gather3A_77 : vector<16xf32>
    %sub3A_79 = arith.subf %add3A_78, %gather3A_76 : vector<16xf32>
    %iota3A_80 = tpu.iota {dimensions = array<i32: 0>} : vector<16xi32>
    %add3A_81 = arith.constant 16 : i32
    %add3A_82 = vector.broadcast %add3A_81 : i32 to vector<16xi32>
    %add3A_83 = arith.addi %iota3A_80, %add3A_82 : vector<16xi32>
    %get3A_84 = arith.constant 80 : index
    %get3A_85 = tpu.vector_load %arg9[%get3A_84] {strides = array<i32>} : memref<1024xi32, #tpu.memory_space<vmem>>, vector<16xi32>,
    %get3A_86 = arith.constant 80 : index
    %get3A_87 = tpu.vector_load %arg8[%get3A_86] {strides = array<i32>} : memref<1024xi32, #tpu.memory_space<vmem>>, vector<16xi32>,
    %gather3A_88 = tpu.vector_load_idx %arg11[%add3A_83, %get3A_85] : memref<64x1000xf32, #tpu.memory_space<vmem>>[vector<16xi32>, vector<16xi32>], vector<16xf32>,
    %gather3A_89 = tpu.vector_load_idx %arg10[%get3A_87] : memref<1000xf32, #tpu.memory_space<vmem>>[vector<16xi32>], vector<16xf32>,
    %add3A_90 = arith.addf %sub3A_79, %gather3A_89 : vector<16xf32>
    %sub3A_91 = arith.subf %add3A_90, %gather3A_88 : vector<16xf32>
    %iota3A_92 = tpu.iota {dimensions = array<i32: 0>} : vector<16xi32>
    %add3A_93 = arith.constant 32 : i32
    %add3A_94 = vector.broadcast %add3A_93 : i32 to vector<16xi32>
    %add3A_95 = arith.addi %iota3A_92, %add3A_94 : vector<16xi32>
    %get3A_96 = arith.constant 96 : index
    %get3A_97 = tpu.vector_load %arg9[%get3A_96] {strides = array<i32>} : memref<1024xi32, #tpu.memory_space<vmem>>, vector<16xi32>,
    %get3A_98 = arith.constant 96 : index
    %get3A_99 = tpu.vector_load %arg8[%get3A_98] {strides = array<i32>} : memref<1024xi32, #tpu.memory_space<vmem>>, vector<16xi32>,
    %gather3A_100 = tpu.vector_load_idx %arg11[%add3A_95, %get3A_97] : memref<64x1000xf32, #tpu.memory_space<vmem>>[vector<16xi32>, vector<16xi32>], vector<16xf32>,
    %gather3A_101 = tpu.vector_load_idx %arg10[%get3A_99] : memref<1000xf32, #tpu.memory_space<vmem>>[vector<16xi32>], vector<16xf32>,
    %add3A_102 = arith.addf %sub3A_91, %gather3A_101 : vector<16xf32>
    %sub3A_103 = arith.subf %add3A_102, %gather3A_100 : vector<16xf32>
    %iota3A_104 = tpu.iota {dimensions = array<i32: 0>} : vector<16xi32>
    %add3A_105 = arith.constant 48 : i32
    %add3A_106 = vector.broadcast %add3A_105 : i32 to vector<16xi32>
    %add3A_107 = arith.addi %iota3A_104, %add3A_106 : vector<16xi32>
    %get3A_108 = arith.constant 112 : index
    %get3A_109 = tpu.vector_load %arg9[%get3A_108] {strides = array<i32>} : memref<1024xi32, #tpu.memory_space<vmem>>, vector<16xi32>,
    %get3A_110 = arith.constant 112 : index
    %get3A_111 = tpu.vector_load %arg8[%get3A_110] {strides = array<i32>} : memref<1024xi32, #tpu.memory_space<vmem>>, vector<16xi32>,
    %gather3A_112 = tpu.vector_load_idx %arg11[%add3A_107, %get3A_109] : memref<64x1000xf32, #tpu.memory_space<vmem>>[vector<16xi32>, vector<16xi32>], vector<16xf32>,
    %gather3A_113 = tpu.vector_load_idx %arg10[%get3A_111] : memref<1000xf32, #tpu.memory_space<vmem>>[vector<16xi32>], vector<16xf32>,
    %add3A_114 = arith.addf %sub3A_103, %gather3A_113 : vector<16xf32>
    %sub3A_115 = arith.subf %add3A_114, %gather3A_112 : vector<16xf32>
    %add3A_116 = arith.constant 64 : i32
    %add3A_117 = arith.addi %mul3A_2, %add3A_116 : i32
    "tpu.region"() ({
      %run_scoped3A = tpu.sem_alloc : memref<!tpu.dma_semaphore, #tpu.memory_space<semaphore_mem>>
      %dma_start3A_959 = arith.constant 0 : i32
      %dma_start3A_960 = tpu.memref_slice %arg6[%add3A_117, %dma_start3A_959] : memref<32768x1000xf32, #tpu.memory_space<hbm>> -> memref<64x1000xf32, #tpu.memory_space<hbm>>
      %dma_start3A_961 = arith.constant 0 : i32
      %dma_start3A_962 = tpu.memref_slice %arg6[%add3A_117, %dma_start3A_961] : memref<32768x1000xf32, #tpu.memory_space<hbm>> -> memref<64x1000xf32, #tpu.memory_space<hbm>>
      tpu.enqueue_dma source(%arg11 : memref<64x1000xf32, #tpu.memory_space<vmem>>) target(%dma_start3A_962 : memref<64x1000xf32, #tpu.memory_space<hbm>>) target_semaphore(%run_scoped3A : memref<!tpu.dma_semaphore, #tpu.memory_space<semaphore_mem>>)
      %dma_wait3A_963 = arith.constant 0 : i32
      %dma_wait3A_964 = tpu.memref_slice %arg6[%add3A_117, %dma_wait3A_963] : memref<32768x1000xf32, #tpu.memory_space<hbm>> -> memref<64x1000xf32, #tpu.memory_space<hbm>>
      %dma_wait3A_965 = arith.constant 0 : i32
      %dma_wait3A_966 = tpu.memref_slice %arg6[%add3A_117, %dma_wait3A_965] : memref<32768x1000xf32, #tpu.memory_space<hbm>> -> memref<64x1000xf32, #tpu.memory_space<hbm>>
      tpu.wait_dma2 semaphore(%run_scoped3A : memref<!tpu.dma_semaphore, #tpu.memory_space<semaphore_mem>>) src(%arg11 : memref<64x1000xf32, #tpu.memory_space<vmem>>) dst(%dma_wait3A_966 : memref<64x1000xf32, #tpu.memory_space<hbm>>)
      tpu.yield
    }) : () -> ()
    %dma_start3A_118 = arith.constant 128 : i32
    %dma_start3A_119 = tpu.memref_slice %arg8[%dma_start3A_118] : memref<1024xi32, #tpu.memory_space<vmem>> -> memref<64xi32, #tpu.memory_space<vmem>>
    %dma_start3A_120 = arith.constant 0 : i32
    %dma_start3A_121 = arith.constant 0 : i32
    %dma_start3A_122 = tpu.memref_slice %arg2[%dma_start3A_120, %dma_start3A_121] : memref<1000x1000xf32, #tpu.memory_space<hbm>> -> memref<1000x1000xf32, #tpu.memory_space<hbm>>
    tpu.enqueue_indirect_dma source(%dma_start3A_122 : memref<1000x1000xf32, #tpu.memory_space<hbm>>) target(%arg11 : memref<64x1000xf32, #tpu.memory_space<vmem>>) offsets(%dma_start3A_119 : memref<64xi32, #tpu.memory_space<vmem>>) semaphore(%arg13 : memref<!tpu.dma_semaphore, #tpu.memory_space<semaphore_mem>>)
    %dma_wait3A_123 = arith.constant 128 : i32
    %dma_wait3A_124 = tpu.memref_slice %arg8[%dma_wait3A_123] : memref<1024xi32, #tpu.memory_space<vmem>> -> memref<64xi32, #tpu.memory_space<vmem>>
    %dma_wait3A_125 = arith.constant 0 : i32
    %dma_wait3A_126 = arith.constant 0 : i32
    %dma_wait3A_127 = tpu.memref_slice %arg2[%dma_wait3A_125, %dma_wait3A_126] : memref<1000x1000xf32, #tpu.memory_space<hbm>> -> memref<1000x1000xf32, #tpu.memory_space<hbm>>
    tpu.wait_indirect_dma semaphore(%arg13 : memref<!tpu.dma_semaphore, #tpu.memory_space<semaphore_mem>>) src(%dma_wait3A_127 : memref<1000x1000xf32, #tpu.memory_space<hbm>>) dst(%arg11 : memref<64x1000xf32, #tpu.memory_space<vmem>>)
    %iota3A_128 = tpu.iota {dimensions = array<i32: 0>} : vector<16xi32>
    %add3A_129 = arith.constant 0 : i32
    %add3A_130 = vector.broadcast %add3A_129 : i32 to vector<16xi32>
    %add3A_131 = arith.addi %iota3A_128, %add3A_130 : vector<16xi32>
    %get3A_132 = arith.constant 128 : index
    %get3A_133 = tpu.vector_load %arg9[%get3A_132] {strides = array<i32>} : memref<1024xi32, #tpu.memory_space<vmem>>, vector<16xi32>,
    %get3A_134 = arith.constant 128 : index
    %get3A_135 = tpu.vector_load %arg8[%get3A_134] {strides = array<i32>} : memref<1024xi32, #tpu.memory_space<vmem>>, vector<16xi32>,
    %gather3A_136 = tpu.vector_load_idx %arg11[%add3A_131, %get3A_133] : memref<64x1000xf32, #tpu.memory_space<vmem>>[vector<16xi32>, vector<16xi32>], vector<16xf32>,
    %gather3A_137 = tpu.vector_load_idx %arg10[%get3A_135] : memref<1000xf32, #tpu.memory_space<vmem>>[vector<16xi32>], vector<16xf32>,
    %add3A_138 = arith.addf %sub3A_115, %gather3A_137 : vector<16xf32>
    %sub3A_139 = arith.subf %add3A_138, %gather3A_136 : vector<16xf32>
    %iota3A_140 = tpu.iota {dimensions = array<i32: 0>} : vector<16xi32>
    %add3A_141 = arith.constant 16 : i32
    %add3A_142 = vector.broadcast %add3A_141 : i32 to vector<16xi32>
    %add3A_143 = arith.addi %iota3A_140, %add3A_142 : vector<16xi32>
    %get3A_144 = arith.constant 144 : index
    %get3A_145 = tpu.vector_load %arg9[%get3A_144] {strides = array<i32>} : memref<1024xi32, #tpu.memory_space<vmem>>, vector<16xi32>,
    %get3A_146 = arith.constant 144 : index
    %get3A_147 = tpu.vector_load %arg8[%get3A_146] {strides = array<i32>} : memref<1024xi32, #tpu.memory_space<vmem>>, vector<16xi32>,
    %gather3A_148 = tpu.vector_load_idx %arg11[%add3A_143, %get3A_145] : memref<64x1000xf32, #tpu.memory_space<vmem>>[vector<16xi32>, vector<16xi32>], vector<16xf32>,
    %gather3A_149 = tpu.vector_load_idx %arg10[%get3A_147] : memref<1000xf32, #tpu.memory_space<vmem>>[vector<16xi32>], vector<16xf32>,
    %add3A_150 = arith.addf %sub3A_139, %gather3A_149 : vector<16xf32>
    %sub3A_151 = arith.subf %add3A_150, %gather3A_148 : vector<16xf32>
    %iota3A_152 = tpu.iota {dimensions = array<i32: 0>} : vector<16xi32>
    %add3A_153 = arith.constant 32 : i32
    %add3A_154 = vector.broadcast %add3A_153 : i32 to vector<16xi32>
    %add3A_155 = arith.addi %iota3A_152, %add3A_154 : vector<16xi32>
    %get3A_156 = arith.constant 160 : index
    %get3A_157 = tpu.vector_load %arg9[%get3A_156] {strides = array<i32>} : memref<1024xi32, #tpu.memory_space<vmem>>, vector<16xi32>,
    %get3A_158 = arith.constant 160 : index
    %get3A_159 = tpu.vector_load %arg8[%get3A_158] {strides = array<i32>} : memref<1024xi32, #tpu.memory_space<vmem>>, vector<16xi32>,
    %gather3A_160 = tpu.vector_load_idx %arg11[%add3A_155, %get3A_157] : memref<64x1000xf32, #tpu.memory_space<vmem>>[vector<16xi32>, vector<16xi32>], vector<16xf32>,
    %gather3A_161 = tpu.vector_load_idx %arg10[%get3A_159] : memref<1000xf32, #tpu.memory_space<vmem>>[vector<16xi32>], vector<16xf32>,
    %add3A_162 = arith.addf %sub3A_151, %gather3A_161 : vector<16xf32>
    %sub3A_163 = arith.subf %add3A_162, %gather3A_160 : vector<16xf32>
    %iota3A_164 = tpu.iota {dimensions = array<i32: 0>} : vector<16xi32>
    %add3A_165 = arith.constant 48 : i32
    %add3A_166 = vector.broadcast %add3A_165 : i32 to vector<16xi32>
    %add3A_167 = arith.addi %iota3A_164, %add3A_166 : vector<16xi32>
    %get3A_168 = arith.constant 176 : index
    %get3A_169 = tpu.vector_load %arg9[%get3A_168] {strides = array<i32>} : memref<1024xi32, #tpu.memory_space<vmem>>, vector<16xi32>,
    %get3A_170 = arith.constant 176 : index
    %get3A_171 = tpu.vector_load %arg8[%get3A_170] {strides = array<i32>} : memref<1024xi32, #tpu.memory_space<vmem>>, vector<16xi32>,
    %gather3A_172 = tpu.vector_load_idx %arg11[%add3A_167, %get3A_169] : memref<64x1000xf32, #tpu.memory_space<vmem>>[vector<16xi32>, vector<16xi32>], vector<16xf32>,
    %gather3A_173 = tpu.vector_load_idx %arg10[%get3A_171] : memref<1000xf32, #tpu.memory_space<vmem>>[vector<16xi32>], vector<16xf32>,
    %add3A_174 = arith.addf %sub3A_163, %gather3A_173 : vector<16xf32>
    %sub3A_175 = arith.subf %add3A_174, %gather3A_172 : vector<16xf32>
    %add3A_176 = arith.constant 128 : i32
    %add3A_177 = arith.addi %mul3A_2, %add3A_176 : i32
    "tpu.region"() ({
      %run_scoped3A = tpu.sem_alloc : memref<!tpu.dma_semaphore, #tpu.memory_space<semaphore_mem>>
      %dma_start3A_959 = arith.constant 0 : i32
      %dma_start3A_960 = tpu.memref_slice %arg6[%add3A_177, %dma_start3A_959] : memref<32768x1000xf32, #tpu.memory_space<hbm>> -> memref<64x1000xf32, #tpu.memory_space<hbm>>
      %dma_start3A_961 = arith.constant 0 : i32
      %dma_start3A_962 = tpu.memref_slice %arg6[%add3A_177, %dma_start3A_961] : memref<32768x1000xf32, #tpu.memory_space<hbm>> -> memref<64x1000xf32, #tpu.memory_space<hbm>>
      tpu.enqueue_dma source(%arg11 : memref<64x1000xf32, #tpu.memory_space<vmem>>) target(%dma_start3A_962 : memref<64x1000xf32, #tpu.memory_space<hbm>>) target_semaphore(%run_scoped3A : memref<!tpu.dma_semaphore, #tpu.memory_space<semaphore_mem>>)
      %dma_wait3A_963 = arith.constant 0 : i32
      %dma_wait3A_964 = tpu.memref_slice %arg6[%add3A_177, %dma_wait3A_963] : memref<32768x1000xf32, #tpu.memory_space<hbm>> -> memref<64x1000xf32, #tpu.memory_space<hbm>>
      %dma_wait3A_965 = arith.constant 0 : i32
      %dma_wait3A_966 = tpu.memref_slice %arg6[%add3A_177, %dma_wait3A_965] : memref<32768x1000xf32, #tpu.memory_space<hbm>> -> memref<64x1000xf32, #tpu.memory_space<hbm>>
      tpu.wait_dma2 semaphore(%run_scoped3A : memref<!tpu.dma_semaphore, #tpu.memory_space<semaphore_mem>>) src(%arg11 : memref<64x1000xf32, #tpu.memory_space<vmem>>) dst(%dma_wait3A_966 : memref<64x1000xf32, #tpu.memory_space<hbm>>)
      tpu.yield
    }) : () -> ()
    %dma_start3A_178 = arith.constant 192 : i32
    %dma_start3A_179 = tpu.memref_slice %arg8[%dma_start3A_178] : memref<1024xi32, #tpu.memory_space<vmem>> -> memref<64xi32, #tpu.memory_space<vmem>>
    %dma_start3A_180 = arith.constant 0 : i32
    %dma_start3A_181 = arith.constant 0 : i32
    %dma_start3A_182 = tpu.memref_slice %arg2[%dma_start3A_180, %dma_start3A_181] : memref<1000x1000xf32, #tpu.memory_space<hbm>> -> memref<1000x1000xf32, #tpu.memory_space<hbm>>
    tpu.enqueue_indirect_dma source(%dma_start3A_182 : memref<1000x1000xf32, #tpu.memory_space<hbm>>) target(%arg11 : memref<64x1000xf32, #tpu.memory_space<vmem>>) offsets(%dma_start3A_179 : memref<64xi32, #tpu.memory_space<vmem>>) semaphore(%arg13 : memref<!tpu.dma_semaphore, #tpu.memory_space<semaphore_mem>>)
    %dma_wait3A_183 = arith.constant 192 : i32
    %dma_wait3A_184 = tpu.memref_slice %arg8[%dma_wait3A_183] : memref<1024xi32, #tpu.memory_space<vmem>> -> memref<64xi32, #tpu.memory_space<vmem>>
    %dma_wait3A_185 = arith.constant 0 : i32
    %dma_wait3A_186 = arith.constant 0 : i32
    %dma_wait3A_187 = tpu.memref_slice %arg2[%dma_wait3A_185, %dma_wait3A_186] : memref<1000x1000xf32, #tpu.memory_space<hbm>> -> memref<1000x1000xf32, #tpu.memory_space<hbm>>
    tpu.wait_indirect_dma semaphore(%arg13 : memref<!tpu.dma_semaphore, #tpu.memory_space<semaphore_mem>>) src(%dma_wait3A_187 : memref<1000x1000xf32, #tpu.memory_space<hbm>>) dst(%arg11 : memref<64x1000xf32, #tpu.memory_space<vmem>>)
    %iota3A_188 = tpu.iota {dimensions = array<i32: 0>} : vector<16xi32>
    %add3A_189 = arith.constant 0 : i32
    %add3A_190 = vector.broadcast %add3A_189 : i32 to vector<16xi32>
    %add3A_191 = arith.addi %iota3A_188, %add3A_190 : vector<16xi32>
    %get3A_192 = arith.constant 192 : index
    %get3A_193 = tpu.vector_load %arg9[%get3A_192] {strides = array<i32>} : memref<1024xi32, #tpu.memory_space<vmem>>, vector<16xi32>,
    %get3A_194 = arith.constant 192 : index
    %get3A_195 = tpu.vector_load %arg8[%get3A_194] {strides = array<i32>} : memref<1024xi32, #tpu.memory_space<vmem>>, vector<16xi32>,
    %gather3A_196 = tpu.vector_load_idx %arg11[%add3A_191, %get3A_193] : memref<64x1000xf32, #tpu.memory_space<vmem>>[vector<16xi32>, vector<16xi32>], vector<16xf32>,
    %gather3A_197 = tpu.vector_load_idx %arg10[%get3A_195] : memref<1000xf32, #tpu.memory_space<vmem>>[vector<16xi32>], vector<16xf32>,
    %add3A_198 = arith.addf %sub3A_175, %gather3A_197 : vector<16xf32>
    %sub3A_199 = arith.subf %add3A_198, %gather3A_196 : vector<16xf32>
    %iota3A_200 = tpu.iota {dimensions = array<i32: 0>} : vector<16xi32>
    %add3A_201 = arith.constant 16 : i32
    %add3A_202 = vector.broadcast %add3A_201 : i32 to vector<16xi32>
    %add3A_203 = arith.addi %iota3A_200, %add3A_202 : vector<16xi32>
    %get3A_204 = arith.constant 208 : index
    %get3A_205 = tpu.vector_load %arg9[%get3A_204] {strides = array<i32>} : memref<1024xi32, #tpu.memory_space<vmem>>, vector<16xi32>,
    %get3A_206 = arith.constant 208 : index
    %get3A_207 = tpu.vector_load %arg8[%get3A_206] {strides = array<i32>} : memref<1024xi32, #tpu.memory_space<vmem>>, vector<16xi32>,
    %gather3A_208 = tpu.vector_load_idx %arg11[%add3A_203, %get3A_205] : memref<64x1000xf32, #tpu.memory_space<vmem>>[vector<16xi32>, vector<16xi32>], vector<16xf32>,
    %gather3A_209 = tpu.vector_load_idx %arg10[%get3A_207] : memref<1000xf32, #tpu.memory_space<vmem>>[vector<16xi32>], vector<16xf32>,
    %add3A_210 = arith.addf %sub3A_199, %gather3A_209 : vector<16xf32>
    %sub3A_211 = arith.subf %add3A_210, %gather3A_208 : vector<16xf32>
    %iota3A_212 = tpu.iota {dimensions = array<i32: 0>} : vector<16xi32>
    %add3A_213 = arith.constant 32 : i32
    %add3A_214 = vector.broadcast %add3A_213 : i32 to vector<16xi32>
    %add3A_215 = arith.addi %iota3A_212, %add3A_214 : vector<16xi32>
    %get3A_216 = arith.constant 224 : index
    %get3A_217 = tpu.vector_load %arg9[%get3A_216] {strides = array<i32>} : memref<1024xi32, #tpu.memory_space<vmem>>, vector<16xi32>,
    %get3A_218 = arith.constant 224 : index
    %get3A_219 = tpu.vector_load %arg8[%get3A_218] {strides = array<i32>} : memref<1024xi32, #tpu.memory_space<vmem>>, vector<16xi32>,
    %gather3A_220 = tpu.vector_load_idx %arg11[%add3A_215, %get3A_217] : memref<64x1000xf32, #tpu.memory_space<vmem>>[vector<16xi32>, vector<16xi32>], vector<16xf32>,
    %gather3A_221 = tpu.vector_load_idx %arg10[%get3A_219] : memref<1000xf32, #tpu.memory_space<vmem>>[vector<16xi32>], vector<16xf32>,
    %add3A_222 = arith.addf %sub3A_211, %gather3A_221 : vector<16xf32>
    %sub3A_223 = arith.subf %add3A_222, %gather3A_220 : vector<16xf32>
    %iota3A_224 = tpu.iota {dimensions = array<i32: 0>} : vector<16xi32>
    %add3A_225 = arith.constant 48 : i32
    %add3A_226 = vector.broadcast %add3A_225 : i32 to vector<16xi32>
    %add3A_227 = arith.addi %iota3A_224, %add3A_226 : vector<16xi32>
    %get3A_228 = arith.constant 240 : index
    %get3A_229 = tpu.vector_load %arg9[%get3A_228] {strides = array<i32>} : memref<1024xi32, #tpu.memory_space<vmem>>, vector<16xi32>,
    %get3A_230 = arith.constant 240 : index
    %get3A_231 = tpu.vector_load %arg8[%get3A_230] {strides = array<i32>} : memref<1024xi32, #tpu.memory_space<vmem>>, vector<16xi32>,
    %gather3A_232 = tpu.vector_load_idx %arg11[%add3A_227, %get3A_229] : memref<64x1000xf32, #tpu.memory_space<vmem>>[vector<16xi32>, vector<16xi32>], vector<16xf32>,
    %gather3A_233 = tpu.vector_load_idx %arg10[%get3A_231] : memref<1000xf32, #tpu.memory_space<vmem>>[vector<16xi32>], vector<16xf32>,
    %add3A_234 = arith.addf %sub3A_223, %gather3A_233 : vector<16xf32>
    %sub3A_235 = arith.subf %add3A_234, %gather3A_232 : vector<16xf32>
    %add3A_236 = arith.constant 192 : i32
    %add3A_237 = arith.addi %mul3A_2, %add3A_236 : i32
    "tpu.region"() ({
      %run_scoped3A = tpu.sem_alloc : memref<!tpu.dma_semaphore, #tpu.memory_space<semaphore_mem>>
      %dma_start3A_959 = arith.constant 0 : i32
      %dma_start3A_960 = tpu.memref_slice %arg6[%add3A_237, %dma_start3A_959] : memref<32768x1000xf32, #tpu.memory_space<hbm>> -> memref<64x1000xf32, #tpu.memory_space<hbm>>
      %dma_start3A_961 = arith.constant 0 : i32
      %dma_start3A_962 = tpu.memref_slice %arg6[%add3A_237, %dma_start3A_961] : memref<32768x1000xf32, #tpu.memory_space<hbm>> -> memref<64x1000xf32, #tpu.memory_space<hbm>>
      tpu.enqueue_dma source(%arg11 : memref<64x1000xf32, #tpu.memory_space<vmem>>) target(%dma_start3A_962 : memref<64x1000xf32, #tpu.memory_space<hbm>>) target_semaphore(%run_scoped3A : memref<!tpu.dma_semaphore, #tpu.memory_space<semaphore_mem>>)
      %dma_wait3A_963 = arith.constant 0 : i32
      %dma_wait3A_964 = tpu.memref_slice %arg6[%add3A_237, %dma_wait3A_963] : memref<32768x1000xf32, #tpu.memory_space<hbm>> -> memref<64x1000xf32, #tpu.memory_space<hbm>>
      %dma_wait3A_965 = arith.constant 0 : i32
      %dma_wait3A_966 = tpu.memref_slice %arg6[%add3A_237, %dma_wait3A_965] : memref<32768x1000xf32, #tpu.memory_space<hbm>> -> memref<64x1000xf32, #tpu.memory_space<hbm>>
      tpu.wait_dma2 semaphore(%run_scoped3A : memref<!tpu.dma_semaphore, #tpu.memory_space<semaphore_mem>>) src(%arg11 : memref<64x1000xf32, #tpu.memory_space<vmem>>) dst(%dma_wait3A_966 : memref<64x1000xf32, #tpu.memory_space<hbm>>)
      tpu.yield
    }) : () -> ()
    %dma_start3A_238 = arith.constant 256 : i32
    %dma_start3A_239 = tpu.memref_slice %arg8[%dma_start3A_238] : memref<1024xi32, #tpu.memory_space<vmem>> -> memref<64xi32, #tpu.memory_space<vmem>>
    %dma_start3A_240 = arith.constant 0 : i32
    %dma_start3A_241 = arith.constant 0 : i32
    %dma_start3A_242 = tpu.memref_slice %arg2[%dma_start3A_240, %dma_start3A_241] : memref<1000x1000xf32, #tpu.memory_space<hbm>> -> memref<1000x1000xf32, #tpu.memory_space<hbm>>
    tpu.enqueue_indirect_dma source(%dma_start3A_242 : memref<1000x1000xf32, #tpu.memory_space<hbm>>) target(%arg11 : memref<64x1000xf32, #tpu.memory_space<vmem>>) offsets(%dma_start3A_239 : memref<64xi32, #tpu.memory_space<vmem>>) semaphore(%arg13 : memref<!tpu.dma_semaphore, #tpu.memory_space<semaphore_mem>>)
    %dma_wait3A_243 = arith.constant 256 : i32
    %dma_wait3A_244 = tpu.memref_slice %arg8[%dma_wait3A_243] : memref<1024xi32, #tpu.memory_space<vmem>> -> memref<64xi32, #tpu.memory_space<vmem>>
    %dma_wait3A_245 = arith.constant 0 : i32
    %dma_wait3A_246 = arith.constant 0 : i32
    %dma_wait3A_247 = tpu.memref_slice %arg2[%dma_wait3A_245, %dma_wait3A_246] : memref<1000x1000xf32, #tpu.memory_space<hbm>> -> memref<1000x1000xf32, #tpu.memory_space<hbm>>
    tpu.wait_indirect_dma semaphore(%arg13 : memref<!tpu.dma_semaphore, #tpu.memory_space<semaphore_mem>>) src(%dma_wait3A_247 : memref<1000x1000xf32, #tpu.memory_space<hbm>>) dst(%arg11 : memref<64x1000xf32, #tpu.memory_space<vmem>>)
    %iota3A_248 = tpu.iota {dimensions = array<i32: 0>} : vector<16xi32>
    %add3A_249 = arith.constant 0 : i32
    %add3A_250 = vector.broadcast %add3A_249 : i32 to vector<16xi32>
    %add3A_251 = arith.addi %iota3A_248, %add3A_250 : vector<16xi32>
    %get3A_252 = arith.constant 256 : index
    %get3A_253 = tpu.vector_load %arg9[%get3A_252] {strides = array<i32>} : memref<1024xi32, #tpu.memory_space<vmem>>, vector<16xi32>,
    %get3A_254 = arith.constant 256 : index
    %get3A_255 = tpu.vector_load %arg8[%get3A_254] {strides = array<i32>} : memref<1024xi32, #tpu.memory_space<vmem>>, vector<16xi32>,
    %gather3A_256 = tpu.vector_load_idx %arg11[%add3A_251, %get3A_253] : memref<64x1000xf32, #tpu.memory_space<vmem>>[vector<16xi32>, vector<16xi32>], vector<16xf32>,
    %gather3A_257 = tpu.vector_load_idx %arg10[%get3A_255] : memref<1000xf32, #tpu.memory_space<vmem>>[vector<16xi32>], vector<16xf32>,
    %add3A_258 = arith.addf %sub3A_235, %gather3A_257 : vector<16xf32>
    %sub3A_259 = arith.subf %add3A_258, %gather3A_256 : vector<16xf32>
    %iota3A_260 = tpu.iota {dimensions = array<i32: 0>} : vector<16xi32>
    %add3A_261 = arith.constant 16 : i32
    %add3A_262 = vector.broadcast %add3A_261 : i32 to vector<16xi32>
    %add3A_263 = arith.addi %iota3A_260, %add3A_262 : vector<16xi32>
    %get3A_264 = arith.constant 272 : index
    %get3A_265 = tpu.vector_load %arg9[%get3A_264] {strides = array<i32>} : memref<1024xi32, #tpu.memory_space<vmem>>, vector<16xi32>,
    %get3A_266 = arith.constant 272 : index
    %get3A_267 = tpu.vector_load %arg8[%get3A_266] {strides = array<i32>} : memref<1024xi32, #tpu.memory_space<vmem>>, vector<16xi32>,
    %gather3A_268 = tpu.vector_load_idx %arg11[%add3A_263, %get3A_265] : memref<64x1000xf32, #tpu.memory_space<vmem>>[vector<16xi32>, vector<16xi32>], vector<16xf32>,
    %gather3A_269 = tpu.vector_load_idx %arg10[%get3A_267] : memref<1000xf32, #tpu.memory_space<vmem>>[vector<16xi32>], vector<16xf32>,
    %add3A_270 = arith.addf %sub3A_259, %gather3A_269 : vector<16xf32>
    %sub3A_271 = arith.subf %add3A_270, %gather3A_268 : vector<16xf32>
    %iota3A_272 = tpu.iota {dimensions = array<i32: 0>} : vector<16xi32>
    %add3A_273 = arith.constant 32 : i32
    %add3A_274 = vector.broadcast %add3A_273 : i32 to vector<16xi32>
    %add3A_275 = arith.addi %iota3A_272, %add3A_274 : vector<16xi32>
    %get3A_276 = arith.constant 288 : index
    %get3A_277 = tpu.vector_load %arg9[%get3A_276] {strides = array<i32>} : memref<1024xi32, #tpu.memory_space<vmem>>, vector<16xi32>,
    %get3A_278 = arith.constant 288 : index
    %get3A_279 = tpu.vector_load %arg8[%get3A_278] {strides = array<i32>} : memref<1024xi32, #tpu.memory_space<vmem>>, vector<16xi32>,
    %gather3A_280 = tpu.vector_load_idx %arg11[%add3A_275, %get3A_277] : memref<64x1000xf32, #tpu.memory_space<vmem>>[vector<16xi32>, vector<16xi32>], vector<16xf32>,
    %gather3A_281 = tpu.vector_load_idx %arg10[%get3A_279] : memref<1000xf32, #tpu.memory_space<vmem>>[vector<16xi32>], vector<16xf32>,
    %add3A_282 = arith.addf %sub3A_271, %gather3A_281 : vector<16xf32>
    %sub3A_283 = arith.subf %add3A_282, %gather3A_280 : vector<16xf32>
    %iota3A_284 = tpu.iota {dimensions = array<i32: 0>} : vector<16xi32>
    %add3A_285 = arith.constant 48 : i32
    %add3A_286 = vector.broadcast %add3A_285 : i32 to vector<16xi32>
    %add3A_287 = arith.addi %iota3A_284, %add3A_286 : vector<16xi32>
    %get3A_288 = arith.constant 304 : index
    %get3A_289 = tpu.vector_load %arg9[%get3A_288] {strides = array<i32>} : memref<1024xi32, #tpu.memory_space<vmem>>, vector<16xi32>,
    %get3A_290 = arith.constant 304 : index
    %get3A_291 = tpu.vector_load %arg8[%get3A_290] {strides = array<i32>} : memref<1024xi32, #tpu.memory_space<vmem>>, vector<16xi32>,
    %gather3A_292 = tpu.vector_load_idx %arg11[%add3A_287, %get3A_289] : memref<64x1000xf32, #tpu.memory_space<vmem>>[vector<16xi32>, vector<16xi32>], vector<16xf32>,
    %gather3A_293 = tpu.vector_load_idx %arg10[%get3A_291] : memref<1000xf32, #tpu.memory_space<vmem>>[vector<16xi32>], vector<16xf32>,
    %add3A_294 = arith.addf %sub3A_283, %gather3A_293 : vector<16xf32>
    %sub3A_295 = arith.subf %add3A_294, %gather3A_292 : vector<16xf32>
    %add3A_296 = arith.constant 256 : i32
    %add3A_297 = arith.addi %mul3A_2, %add3A_296 : i32
    "tpu.region"() ({
      %run_scoped3A = tpu.sem_alloc : memref<!tpu.dma_semaphore, #tpu.memory_space<semaphore_mem>>
      %dma_start3A_959 = arith.constant 0 : i32
      %dma_start3A_960 = tpu.memref_slice %arg6[%add3A_297, %dma_start3A_959] : memref<32768x1000xf32, #tpu.memory_space<hbm>> -> memref<64x1000xf32, #tpu.memory_space<hbm>>
      %dma_start3A_961 = arith.constant 0 : i32
      %dma_start3A_962 = tpu.memref_slice %arg6[%add3A_297, %dma_start3A_961] : memref<32768x1000xf32, #tpu.memory_space<hbm>> -> memref<64x1000xf32, #tpu.memory_space<hbm>>
      tpu.enqueue_dma source(%arg11 : memref<64x1000xf32, #tpu.memory_space<vmem>>) target(%dma_start3A_962 : memref<64x1000xf32, #tpu.memory_space<hbm>>) target_semaphore(%run_scoped3A : memref<!tpu.dma_semaphore, #tpu.memory_space<semaphore_mem>>)
      %dma_wait3A_963 = arith.constant 0 : i32
      %dma_wait3A_964 = tpu.memref_slice %arg6[%add3A_297, %dma_wait3A_963] : memref<32768x1000xf32, #tpu.memory_space<hbm>> -> memref<64x1000xf32, #tpu.memory_space<hbm>>
      %dma_wait3A_965 = arith.constant 0 : i32
      %dma_wait3A_966 = tpu.memref_slice %arg6[%add3A_297, %dma_wait3A_965] : memref<32768x1000xf32, #tpu.memory_space<hbm>> -> memref<64x1000xf32, #tpu.memory_space<hbm>>
      tpu.wait_dma2 semaphore(%run_scoped3A : memref<!tpu.dma_semaphore, #tpu.memory_space<semaphore_mem>>) src(%arg11 : memref<64x1000xf32, #tpu.memory_space<vmem>>) dst(%dma_wait3A_966 : memref<64x1000xf32, #tpu.memory_space<hbm>>)
      tpu.yield
    }) : () -> ()
    %dma_start3A_298 = arith.constant 320 : i32
    %dma_start3A_299 = tpu.memref_slice %arg8[%dma_start3A_298] : memref<1024xi32, #tpu.memory_space<vmem>> -> memref<64xi32, #tpu.memory_space<vmem>>
    %dma_start3A_300 = arith.constant 0 : i32
    %dma_start3A_301 = arith.constant 0 : i32
    %dma_start3A_302 = tpu.memref_slice %arg2[%dma_start3A_300, %dma_start3A_301] : memref<1000x1000xf32, #tpu.memory_space<hbm>> -> memref<1000x1000xf32, #tpu.memory_space<hbm>>
    tpu.enqueue_indirect_dma source(%dma_start3A_302 : memref<1000x1000xf32, #tpu.memory_space<hbm>>) target(%arg11 : memref<64x1000xf32, #tpu.memory_space<vmem>>) offsets(%dma_start3A_299 : memref<64xi32, #tpu.memory_space<vmem>>) semaphore(%arg13 : memref<!tpu.dma_semaphore, #tpu.memory_space<semaphore_mem>>)
    %dma_wait3A_303 = arith.constant 320 : i32
    %dma_wait3A_304 = tpu.memref_slice %arg8[%dma_wait3A_303] : memref<1024xi32, #tpu.memory_space<vmem>> -> memref<64xi32, #tpu.memory_space<vmem>>
    %dma_wait3A_305 = arith.constant 0 : i32
    %dma_wait3A_306 = arith.constant 0 : i32
    %dma_wait3A_307 = tpu.memref_slice %arg2[%dma_wait3A_305, %dma_wait3A_306] : memref<1000x1000xf32, #tpu.memory_space<hbm>> -> memref<1000x1000xf32, #tpu.memory_space<hbm>>
    tpu.wait_indirect_dma semaphore(%arg13 : memref<!tpu.dma_semaphore, #tpu.memory_space<semaphore_mem>>) src(%dma_wait3A_307 : memref<1000x1000xf32, #tpu.memory_space<hbm>>) dst(%arg11 : memref<64x1000xf32, #tpu.memory_space<vmem>>)
    %iota3A_308 = tpu.iota {dimensions = array<i32: 0>} : vector<16xi32>
    %add3A_309 = arith.constant 0 : i32
    %add3A_310 = vector.broadcast %add3A_309 : i32 to vector<16xi32>
    %add3A_311 = arith.addi %iota3A_308, %add3A_310 : vector<16xi32>
    %get3A_312 = arith.constant 320 : index
    %get3A_313 = tpu.vector_load %arg9[%get3A_312] {strides = array<i32>} : memref<1024xi32, #tpu.memory_space<vmem>>, vector<16xi32>,
    %get3A_314 = arith.constant 320 : index
    %get3A_315 = tpu.vector_load %arg8[%get3A_314] {strides = array<i32>} : memref<1024xi32, #tpu.memory_space<vmem>>, vector<16xi32>,
    %gather3A_316 = tpu.vector_load_idx %arg11[%add3A_311, %get3A_313] : memref<64x1000xf32, #tpu.memory_space<vmem>>[vector<16xi32>, vector<16xi32>], vector<16xf32>,
    %gather3A_317 = tpu.vector_load_idx %arg10[%get3A_315] : memref<1000xf32, #tpu.memory_space<vmem>>[vector<16xi32>], vector<16xf32>,
    %add3A_318 = arith.addf %sub3A_295, %gather3A_317 : vector<16xf32>
    %sub3A_319 = arith.subf %add3A_318, %gather3A_316 : vector<16xf32>
    %iota3A_320 = tpu.iota {dimensions = array<i32: 0>} : vector<16xi32>
    %add3A_321 = arith.constant 16 : i32
    %add3A_322 = vector.broadcast %add3A_321 : i32 to vector<16xi32>
    %add3A_323 = arith.addi %iota3A_320, %add3A_322 : vector<16xi32>
    %get3A_324 = arith.constant 336 : index
    %get3A_325 = tpu.vector_load %arg9[%get3A_324] {strides = array<i32>} : memref<1024xi32, #tpu.memory_space<vmem>>, vector<16xi32>,
    %get3A_326 = arith.constant 336 : index
    %get3A_327 = tpu.vector_load %arg8[%get3A_326] {strides = array<i32>} : memref<1024xi32, #tpu.memory_space<vmem>>, vector<16xi32>,
    %gather3A_328 = tpu.vector_load_idx %arg11[%add3A_323, %get3A_325] : memref<64x1000xf32, #tpu.memory_space<vmem>>[vector<16xi32>, vector<16xi32>], vector<16xf32>,
    %gather3A_329 = tpu.vector_load_idx %arg10[%get3A_327] : memref<1000xf32, #tpu.memory_space<vmem>>[vector<16xi32>], vector<16xf32>,
    %add3A_330 = arith.addf %sub3A_319, %gather3A_329 : vector<16xf32>
    %sub3A_331 = arith.subf %add3A_330, %gather3A_328 : vector<16xf32>
    %iota3A_332 = tpu.iota {dimensions = array<i32: 0>} : vector<16xi32>
    %add3A_333 = arith.constant 32 : i32
    %add3A_334 = vector.broadcast %add3A_333 : i32 to vector<16xi32>
    %add3A_335 = arith.addi %iota3A_332, %add3A_334 : vector<16xi32>
    %get3A_336 = arith.constant 352 : index
    %get3A_337 = tpu.vector_load %arg9[%get3A_336] {strides = array<i32>} : memref<1024xi32, #tpu.memory_space<vmem>>, vector<16xi32>,
    %get3A_338 = arith.constant 352 : index
    %get3A_339 = tpu.vector_load %arg8[%get3A_338] {strides = array<i32>} : memref<1024xi32, #tpu.memory_space<vmem>>, vector<16xi32>,
    %gather3A_340 = tpu.vector_load_idx %arg11[%add3A_335, %get3A_337] : memref<64x1000xf32, #tpu.memory_space<vmem>>[vector<16xi32>, vector<16xi32>], vector<16xf32>,
    %gather3A_341 = tpu.vector_load_idx %arg10[%get3A_339] : memref<1000xf32, #tpu.memory_space<vmem>>[vector<16xi32>], vector<16xf32>,
    %add3A_342 = arith.addf %sub3A_331, %gather3A_341 : vector<16xf32>
    %sub3A_343 = arith.subf %add3A_342, %gather3A_340 : vector<16xf32>
    %iota3A_344 = tpu.iota {dimensions = array<i32: 0>} : vector<16xi32>
    %add3A_345 = arith.constant 48 : i32
    %add3A_346 = vector.broadcast %add3A_345 : i32 to vector<16xi32>
    %add3A_347 = arith.addi %iota3A_344, %add3A_346 : vector<16xi32>
    %get3A_348 = arith.constant 368 : index
    %get3A_349 = tpu.vector_load %arg9[%get3A_348] {strides = array<i32>} : memref<1024xi32, #tpu.memory_space<vmem>>, vector<16xi32>,
    %get3A_350 = arith.constant 368 : index
    %get3A_351 = tpu.vector_load %arg8[%get3A_350] {strides = array<i32>} : memref<1024xi32, #tpu.memory_space<vmem>>, vector<16xi32>,
    %gather3A_352 = tpu.vector_load_idx %arg11[%add3A_347, %get3A_349] : memref<64x1000xf32, #tpu.memory_space<vmem>>[vector<16xi32>, vector<16xi32>], vector<16xf32>,
    %gather3A_353 = tpu.vector_load_idx %arg10[%get3A_351] : memref<1000xf32, #tpu.memory_space<vmem>>[vector<16xi32>], vector<16xf32>,
    %add3A_354 = arith.addf %sub3A_343, %gather3A_353 : vector<16xf32>
    %sub3A_355 = arith.subf %add3A_354, %gather3A_352 : vector<16xf32>
    %add3A_356 = arith.constant 320 : i32
    %add3A_357 = arith.addi %mul3A_2, %add3A_356 : i32
    "tpu.region"() ({
      %run_scoped3A = tpu.sem_alloc : memref<!tpu.dma_semaphore, #tpu.memory_space<semaphore_mem>>
      %dma_start3A_959 = arith.constant 0 : i32
      %dma_start3A_960 = tpu.memref_slice %arg6[%add3A_357, %dma_start3A_959] : memref<32768x1000xf32, #tpu.memory_space<hbm>> -> memref<64x1000xf32, #tpu.memory_space<hbm>>
      %dma_start3A_961 = arith.constant 0 : i32
      %dma_start3A_962 = tpu.memref_slice %arg6[%add3A_357, %dma_start3A_961] : memref<32768x1000xf32, #tpu.memory_space<hbm>> -> memref<64x1000xf32, #tpu.memory_space<hbm>>
      tpu.enqueue_dma source(%arg11 : memref<64x1000xf32, #tpu.memory_space<vmem>>) target(%dma_start3A_962 : memref<64x1000xf32, #tpu.memory_space<hbm>>) target_semaphore(%run_scoped3A : memref<!tpu.dma_semaphore, #tpu.memory_space<semaphore_mem>>)
      %dma_wait3A_963 = arith.constant 0 : i32
      %dma_wait3A_964 = tpu.memref_slice %arg6[%add3A_357, %dma_wait3A_963] : memref<32768x1000xf32, #tpu.memory_space<hbm>> -> memref<64x1000xf32, #tpu.memory_space<hbm>>
      %dma_wait3A_965 = arith.constant 0 : i32
      %dma_wait3A_966 = tpu.memref_slice %arg6[%add3A_357, %dma_wait3A_965] : memref<32768x1000xf32, #tpu.memory_space<hbm>> -> memref<64x1000xf32, #tpu.memory_space<hbm>>
      tpu.wait_dma2 semaphore(%run_scoped3A : memref<!tpu.dma_semaphore, #tpu.memory_space<semaphore_mem>>) src(%arg11 : memref<64x1000xf32, #tpu.memory_space<vmem>>) dst(%dma_wait3A_966 : memref<64x1000xf32, #tpu.memory_space<hbm>>)
      tpu.yield
    }) : () -> ()
    %dma_start3A_358 = arith.constant 384 : i32
    %dma_start3A_359 = tpu.memref_slice %arg8[%dma_start3A_358] : memref<1024xi32, #tpu.memory_space<vmem>> -> memref<64xi32, #tpu.memory_space<vmem>>
    %dma_start3A_360 = arith.constant 0 : i32
    %dma_start3A_361 = arith.constant 0 : i32
    %dma_start3A_362 = tpu.memref_slice %arg2[%dma_start3A_360, %dma_start3A_361] : memref<1000x1000xf32, #tpu.memory_space<hbm>> -> memref<1000x1000xf32, #tpu.memory_space<hbm>>
    tpu.enqueue_indirect_dma source(%dma_start3A_362 : memref<1000x1000xf32, #tpu.memory_space<hbm>>) target(%arg11 : memref<64x1000xf32, #tpu.memory_space<vmem>>) offsets(%dma_start3A_359 : memref<64xi32, #tpu.memory_space<vmem>>) semaphore(%arg13 : memref<!tpu.dma_semaphore, #tpu.memory_space<semaphore_mem>>)
    %dma_wait3A_363 = arith.constant 384 : i32
    %dma_wait3A_364 = tpu.memref_slice %arg8[%dma_wait3A_363] : memref<1024xi32, #tpu.memory_space<vmem>> -> memref<64xi32, #tpu.memory_space<vmem>>
    %dma_wait3A_365 = arith.constant 0 : i32
    %dma_wait3A_366 = arith.constant 0 : i32
    %dma_wait3A_367 = tpu.memref_slice %arg2[%dma_wait3A_365, %dma_wait3A_366] : memref<1000x1000xf32, #tpu.memory_space<hbm>> -> memref<1000x1000xf32, #tpu.memory_space<hbm>>
    tpu.wait_indirect_dma semaphore(%arg13 : memref<!tpu.dma_semaphore, #tpu.memory_space<semaphore_mem>>) src(%dma_wait3A_367 : memref<1000x1000xf32, #tpu.memory_space<hbm>>) dst(%arg11 : memref<64x1000xf32, #tpu.memory_space<vmem>>)
    %iota3A_368 = tpu.iota {dimensions = array<i32: 0>} : vector<16xi32>
    %add3A_369 = arith.constant 0 : i32
    %add3A_370 = vector.broadcast %add3A_369 : i32 to vector<16xi32>
    %add3A_371 = arith.addi %iota3A_368, %add3A_370 : vector<16xi32>
    %get3A_372 = arith.constant 384 : index
    %get3A_373 = tpu.vector_load %arg9[%get3A_372] {strides = array<i32>} : memref<1024xi32, #tpu.memory_space<vmem>>, vector<16xi32>,
    %get3A_374 = arith.constant 384 : index
    %get3A_375 = tpu.vector_load %arg8[%get3A_374] {strides = array<i32>} : memref<1024xi32, #tpu.memory_space<vmem>>, vector<16xi32>,
    %gather3A_376 = tpu.vector_load_idx %arg11[%add3A_371, %get3A_373] : memref<64x1000xf32, #tpu.memory_space<vmem>>[vector<16xi32>, vector<16xi32>], vector<16xf32>,
    %gather3A_377 = tpu.vector_load_idx %arg10[%get3A_375] : memref<1000xf32, #tpu.memory_space<vmem>>[vector<16xi32>], vector<16xf32>,
    %add3A_378 = arith.addf %sub3A_355, %gather3A_377 : vector<16xf32>
    %sub3A_379 = arith.subf %add3A_378, %gather3A_376 : vector<16xf32>
    %iota3A_380 = tpu.iota {dimensions = array<i32: 0>} : vector<16xi32>
    %add3A_381 = arith.constant 16 : i32
    %add3A_382 = vector.broadcast %add3A_381 : i32 to vector<16xi32>
    %add3A_383 = arith.addi %iota3A_380, %add3A_382 : vector<16xi32>
    %get3A_384 = arith.constant 400 : index
    %get3A_385 = tpu.vector_load %arg9[%get3A_384] {strides = array<i32>} : memref<1024xi32, #tpu.memory_space<vmem>>, vector<16xi32>,
    %get3A_386 = arith.constant 400 : index
    %get3A_387 = tpu.vector_load %arg8[%get3A_386] {strides = array<i32>} : memref<1024xi32, #tpu.memory_space<vmem>>, vector<16xi32>,
    %gather3A_388 = tpu.vector_load_idx %arg11[%add3A_383, %get3A_385] : memref<64x1000xf32, #tpu.memory_space<vmem>>[vector<16xi32>, vector<16xi32>], vector<16xf32>,
    %gather3A_389 = tpu.vector_load_idx %arg10[%get3A_387] : memref<1000xf32, #tpu.memory_space<vmem>>[vector<16xi32>], vector<16xf32>,
    %add3A_390 = arith.addf %sub3A_379, %gather3A_389 : vector<16xf32>
    %sub3A_391 = arith.subf %add3A_390, %gather3A_388 : vector<16xf32>
    %iota3A_392 = tpu.iota {dimensions = array<i32: 0>} : vector<16xi32>
    %add3A_393 = arith.constant 32 : i32
    %add3A_394 = vector.broadcast %add3A_393 : i32 to vector<16xi32>
    %add3A_395 = arith.addi %iota3A_392, %add3A_394 : vector<16xi32>
    %get3A_396 = arith.constant 416 : index
    %get3A_397 = tpu.vector_load %arg9[%get3A_396] {strides = array<i32>} : memref<1024xi32, #tpu.memory_space<vmem>>, vector<16xi32>,
    %get3A_398 = arith.constant 416 : index
    %get3A_399 = tpu.vector_load %arg8[%get3A_398] {strides = array<i32>} : memref<1024xi32, #tpu.memory_space<vmem>>, vector<16xi32>,
    %gather3A_400 = tpu.vector_load_idx %arg11[%add3A_395, %get3A_397] : memref<64x1000xf32, #tpu.memory_space<vmem>>[vector<16xi32>, vector<16xi32>], vector<16xf32>,
    %gather3A_401 = tpu.vector_load_idx %arg10[%get3A_399] : memref<1000xf32, #tpu.memory_space<vmem>>[vector<16xi32>], vector<16xf32>,
    %add3A_402 = arith.addf %sub3A_391, %gather3A_401 : vector<16xf32>
    %sub3A_403 = arith.subf %add3A_402, %gather3A_400 : vector<16xf32>
    %iota3A_404 = tpu.iota {dimensions = array<i32: 0>} : vector<16xi32>
    %add3A_405 = arith.constant 48 : i32
    %add3A_406 = vector.broadcast %add3A_405 : i32 to vector<16xi32>
    %add3A_407 = arith.addi %iota3A_404, %add3A_406 : vector<16xi32>
    %get3A_408 = arith.constant 432 : index
    %get3A_409 = tpu.vector_load %arg9[%get3A_408] {strides = array<i32>} : memref<1024xi32, #tpu.memory_space<vmem>>, vector<16xi32>,
    %get3A_410 = arith.constant 432 : index
    %get3A_411 = tpu.vector_load %arg8[%get3A_410] {strides = array<i32>} : memref<1024xi32, #tpu.memory_space<vmem>>, vector<16xi32>,
    %gather3A_412 = tpu.vector_load_idx %arg11[%add3A_407, %get3A_409] : memref<64x1000xf32, #tpu.memory_space<vmem>>[vector<16xi32>, vector<16xi32>], vector<16xf32>,
    %gather3A_413 = tpu.vector_load_idx %arg10[%get3A_411] : memref<1000xf32, #tpu.memory_space<vmem>>[vector<16xi32>], vector<16xf32>,
    %add3A_414 = arith.addf %sub3A_403, %gather3A_413 : vector<16xf32>
    %sub3A_415 = arith.subf %add3A_414, %gather3A_412 : vector<16xf32>
    %add3A_416 = arith.constant 384 : i32
    %add3A_417 = arith.addi %mul3A_2, %add3A_416 : i32
    "tpu.region"() ({
      %run_scoped3A = tpu.sem_alloc : memref<!tpu.dma_semaphore, #tpu.memory_space<semaphore_mem>>
      %dma_start3A_959 = arith.constant 0 : i32
      %dma_start3A_960 = tpu.memref_slice %arg6[%add3A_417, %dma_start3A_959] : memref<32768x1000xf32, #tpu.memory_space<hbm>> -> memref<64x1000xf32, #tpu.memory_space<hbm>>
      %dma_start3A_961 = arith.constant 0 : i32
      %dma_start3A_962 = tpu.memref_slice %arg6[%add3A_417, %dma_start3A_961] : memref<32768x1000xf32, #tpu.memory_space<hbm>> -> memref<64x1000xf32, #tpu.memory_space<hbm>>
      tpu.enqueue_dma source(%arg11 : memref<64x1000xf32, #tpu.memory_space<vmem>>) target(%dma_start3A_962 : memref<64x1000xf32, #tpu.memory_space<hbm>>) target_semaphore(%run_scoped3A : memref<!tpu.dma_semaphore, #tpu.memory_space<semaphore_mem>>)
      %dma_wait3A_963 = arith.constant 0 : i32
      %dma_wait3A_964 = tpu.memref_slice %arg6[%add3A_417, %dma_wait3A_963] : memref<32768x1000xf32, #tpu.memory_space<hbm>> -> memref<64x1000xf32, #tpu.memory_space<hbm>>
      %dma_wait3A_965 = arith.constant 0 : i32
      %dma_wait3A_966 = tpu.memref_slice %arg6[%add3A_417, %dma_wait3A_965] : memref<32768x1000xf32, #tpu.memory_space<hbm>> -> memref<64x1000xf32, #tpu.memory_space<hbm>>
      tpu.wait_dma2 semaphore(%run_scoped3A : memref<!tpu.dma_semaphore, #tpu.memory_space<semaphore_mem>>) src(%arg11 : memref<64x1000xf32, #tpu.memory_space<vmem>>) dst(%dma_wait3A_966 : memref<64x1000xf32, #tpu.memory_space<hbm>>)
      tpu.yield
    }) : () -> ()
    %dma_start3A_418 = arith.constant 448 : i32
    %dma_start3A_419 = tpu.memref_slice %arg8[%dma_start3A_418] : memref<1024xi32, #tpu.memory_space<vmem>> -> memref<64xi32, #tpu.memory_space<vmem>>
    %dma_start3A_420 = arith.constant 0 : i32
    %dma_start3A_421 = arith.constant 0 : i32
    %dma_start3A_422 = tpu.memref_slice %arg2[%dma_start3A_420, %dma_start3A_421] : memref<1000x1000xf32, #tpu.memory_space<hbm>> -> memref<1000x1000xf32, #tpu.memory_space<hbm>>
    tpu.enqueue_indirect_dma source(%dma_start3A_422 : memref<1000x1000xf32, #tpu.memory_space<hbm>>) target(%arg11 : memref<64x1000xf32, #tpu.memory_space<vmem>>) offsets(%dma_start3A_419 : memref<64xi32, #tpu.memory_space<vmem>>) semaphore(%arg13 : memref<!tpu.dma_semaphore, #tpu.memory_space<semaphore_mem>>)
    %dma_wait3A_423 = arith.constant 448 : i32
    %dma_wait3A_424 = tpu.memref_slice %arg8[%dma_wait3A_423] : memref<1024xi32, #tpu.memory_space<vmem>> -> memref<64xi32, #tpu.memory_space<vmem>>
    %dma_wait3A_425 = arith.constant 0 : i32
    %dma_wait3A_426 = arith.constant 0 : i32
    %dma_wait3A_427 = tpu.memref_slice %arg2[%dma_wait3A_425, %dma_wait3A_426] : memref<1000x1000xf32, #tpu.memory_space<hbm>> -> memref<1000x1000xf32, #tpu.memory_space<hbm>>
    tpu.wait_indirect_dma semaphore(%arg13 : memref<!tpu.dma_semaphore, #tpu.memory_space<semaphore_mem>>) src(%dma_wait3A_427 : memref<1000x1000xf32, #tpu.memory_space<hbm>>) dst(%arg11 : memref<64x1000xf32, #tpu.memory_space<vmem>>)
    %iota3A_428 = tpu.iota {dimensions = array<i32: 0>} : vector<16xi32>
    %add3A_429 = arith.constant 0 : i32
    %add3A_430 = vector.broadcast %add3A_429 : i32 to vector<16xi32>
    %add3A_431 = arith.addi %iota3A_428, %add3A_430 : vector<16xi32>
    %get3A_432 = arith.constant 448 : index
    %get3A_433 = tpu.vector_load %arg9[%get3A_432] {strides = array<i32>} : memref<1024xi32, #tpu.memory_space<vmem>>, vector<16xi32>,
    %get3A_434 = arith.constant 448 : index
    %get3A_435 = tpu.vector_load %arg8[%get3A_434] {strides = array<i32>} : memref<1024xi32, #tpu.memory_space<vmem>>, vector<16xi32>,
    %gather3A_436 = tpu.vector_load_idx %arg11[%add3A_431, %get3A_433] : memref<64x1000xf32, #tpu.memory_space<vmem>>[vector<16xi32>, vector<16xi32>], vector<16xf32>,
    %gather3A_437 = tpu.vector_load_idx %arg10[%get3A_435] : memref<1000xf32, #tpu.memory_space<vmem>>[vector<16xi32>], vector<16xf32>,
    %add3A_438 = arith.addf %sub3A_415, %gather3A_437 : vector<16xf32>
    %sub3A_439 = arith.subf %add3A_438, %gather3A_436 : vector<16xf32>
    %iota3A_440 = tpu.iota {dimensions = array<i32: 0>} : vector<16xi32>
    %add3A_441 = arith.constant 16 : i32
    %add3A_442 = vector.broadcast %add3A_441 : i32 to vector<16xi32>
    %add3A_443 = arith.addi %iota3A_440, %add3A_442 : vector<16xi32>
    %get3A_444 = arith.constant 464 : index
    %get3A_445 = tpu.vector_load %arg9[%get3A_444] {strides = array<i32>} : memref<1024xi32, #tpu.memory_space<vmem>>, vector<16xi32>,
    %get3A_446 = arith.constant 464 : index
    %get3A_447 = tpu.vector_load %arg8[%get3A_446] {strides = array<i32>} : memref<1024xi32, #tpu.memory_space<vmem>>, vector<16xi32>,
    %gather3A_448 = tpu.vector_load_idx %arg11[%add3A_443, %get3A_445] : memref<64x1000xf32, #tpu.memory_space<vmem>>[vector<16xi32>, vector<16xi32>], vector<16xf32>,
    %gather3A_449 = tpu.vector_load_idx %arg10[%get3A_447] : memref<1000xf32, #tpu.memory_space<vmem>>[vector<16xi32>], vector<16xf32>,
    %add3A_450 = arith.addf %sub3A_439, %gather3A_449 : vector<16xf32>
    %sub3A_451 = arith.subf %add3A_450, %gather3A_448 : vector<16xf32>
    %iota3A_452 = tpu.iota {dimensions = array<i32: 0>} : vector<16xi32>
    %add3A_453 = arith.constant 32 : i32
    %add3A_454 = vector.broadcast %add3A_453 : i32 to vector<16xi32>
    %add3A_455 = arith.addi %iota3A_452, %add3A_454 : vector<16xi32>
    %get3A_456 = arith.constant 480 : index
    %get3A_457 = tpu.vector_load %arg9[%get3A_456] {strides = array<i32>} : memref<1024xi32, #tpu.memory_space<vmem>>, vector<16xi32>,
    %get3A_458 = arith.constant 480 : index
    %get3A_459 = tpu.vector_load %arg8[%get3A_458] {strides = array<i32>} : memref<1024xi32, #tpu.memory_space<vmem>>, vector<16xi32>,
    %gather3A_460 = tpu.vector_load_idx %arg11[%add3A_455, %get3A_457] : memref<64x1000xf32, #tpu.memory_space<vmem>>[vector<16xi32>, vector<16xi32>], vector<16xf32>,
    %gather3A_461 = tpu.vector_load_idx %arg10[%get3A_459] : memref<1000xf32, #tpu.memory_space<vmem>>[vector<16xi32>], vector<16xf32>,
    %add3A_462 = arith.addf %sub3A_451, %gather3A_461 : vector<16xf32>
    %sub3A_463 = arith.subf %add3A_462, %gather3A_460 : vector<16xf32>
    %iota3A_464 = tpu.iota {dimensions = array<i32: 0>} : vector<16xi32>
    %add3A_465 = arith.constant 48 : i32
    %add3A_466 = vector.broadcast %add3A_465 : i32 to vector<16xi32>
    %add3A_467 = arith.addi %iota3A_464, %add3A_466 : vector<16xi32>
    %get3A_468 = arith.constant 496 : index
    %get3A_469 = tpu.vector_load %arg9[%get3A_468] {strides = array<i32>} : memref<1024xi32, #tpu.memory_space<vmem>>, vector<16xi32>,
    %get3A_470 = arith.constant 496 : index
    %get3A_471 = tpu.vector_load %arg8[%get3A_470] {strides = array<i32>} : memref<1024xi32, #tpu.memory_space<vmem>>, vector<16xi32>,
    %gather3A_472 = tpu.vector_load_idx %arg11[%add3A_467, %get3A_469] : memref<64x1000xf32, #tpu.memory_space<vmem>>[vector<16xi32>, vector<16xi32>], vector<16xf32>,
    %gather3A_473 = tpu.vector_load_idx %arg10[%get3A_471] : memref<1000xf32, #tpu.memory_space<vmem>>[vector<16xi32>], vector<16xf32>,
    %add3A_474 = arith.addf %sub3A_463, %gather3A_473 : vector<16xf32>
    %sub3A_475 = arith.subf %add3A_474, %gather3A_472 : vector<16xf32>
    %add3A_476 = arith.constant 448 : i32
    %add3A_477 = arith.addi %mul3A_2, %add3A_476 : i32
    "tpu.region"() ({
      %run_scoped3A = tpu.sem_alloc : memref<!tpu.dma_semaphore, #tpu.memory_space<semaphore_mem>>
      %dma_start3A_959 = arith.constant 0 : i32
      %dma_start3A_960 = tpu.memref_slice %arg6[%add3A_477, %dma_start3A_959] : memref<32768x1000xf32, #tpu.memory_space<hbm>> -> memref<64x1000xf32, #tpu.memory_space<hbm>>
      %dma_start3A_961 = arith.constant 0 : i32
      %dma_start3A_962 = tpu.memref_slice %arg6[%add3A_477, %dma_start3A_961] : memref<32768x1000xf32, #tpu.memory_space<hbm>> -> memref<64x1000xf32, #tpu.memory_space<hbm>>
      tpu.enqueue_dma source(%arg11 : memref<64x1000xf32, #tpu.memory_space<vmem>>) target(%dma_start3A_962 : memref<64x1000xf32, #tpu.memory_space<hbm>>) target_semaphore(%run_scoped3A : memref<!tpu.dma_semaphore, #tpu.memory_space<semaphore_mem>>)
      %dma_wait3A_963 = arith.constant 0 : i32
      %dma_wait3A_964 = tpu.memref_slice %arg6[%add3A_477, %dma_wait3A_963] : memref<32768x1000xf32, #tpu.memory_space<hbm>> -> memref<64x1000xf32, #tpu.memory_space<hbm>>
      %dma_wait3A_965 = arith.constant 0 : i32
      %dma_wait3A_966 = tpu.memref_slice %arg6[%add3A_477, %dma_wait3A_965] : memref<32768x1000xf32, #tpu.memory_space<hbm>> -> memref<64x1000xf32, #tpu.memory_space<hbm>>
      tpu.wait_dma2 semaphore(%run_scoped3A : memref<!tpu.dma_semaphore, #tpu.memory_space<semaphore_mem>>) src(%arg11 : memref<64x1000xf32, #tpu.memory_space<vmem>>) dst(%dma_wait3A_966 : memref<64x1000xf32, #tpu.memory_space<hbm>>)
      tpu.yield
    }) : () -> ()
    %dma_start3A_478 = arith.constant 512 : i32
    %dma_start3A_479 = tpu.memref_slice %arg8[%dma_start3A_478] : memref<1024xi32, #tpu.memory_space<vmem>> -> memref<64xi32, #tpu.memory_space<vmem>>
    %dma_start3A_480 = arith.constant 0 : i32
    %dma_start3A_481 = arith.constant 0 : i32
    %dma_start3A_482 = tpu.memref_slice %arg2[%dma_start3A_480, %dma_start3A_481] : memref<1000x1000xf32, #tpu.memory_space<hbm>> -> memref<1000x1000xf32, #tpu.memory_space<hbm>>
    tpu.enqueue_indirect_dma source(%dma_start3A_482 : memref<1000x1000xf32, #tpu.memory_space<hbm>>) target(%arg11 : memref<64x1000xf32, #tpu.memory_space<vmem>>) offsets(%dma_start3A_479 : memref<64xi32, #tpu.memory_space<vmem>>) semaphore(%arg13 : memref<!tpu.dma_semaphore, #tpu.memory_space<semaphore_mem>>)
    %dma_wait3A_483 = arith.constant 512 : i32
    %dma_wait3A_484 = tpu.memref_slice %arg8[%dma_wait3A_483] : memref<1024xi32, #tpu.memory_space<vmem>> -> memref<64xi32, #tpu.memory_space<vmem>>
    %dma_wait3A_485 = arith.constant 0 : i32
    %dma_wait3A_486 = arith.constant 0 : i32
    %dma_wait3A_487 = tpu.memref_slice %arg2[%dma_wait3A_485, %dma_wait3A_486] : memref<1000x1000xf32, #tpu.memory_space<hbm>> -> memref<1000x1000xf32, #tpu.memory_space<hbm>>
    tpu.wait_indirect_dma semaphore(%arg13 : memref<!tpu.dma_semaphore, #tpu.memory_space<semaphore_mem>>) src(%dma_wait3A_487 : memref<1000x1000xf32, #tpu.memory_space<hbm>>) dst(%arg11 : memref<64x1000xf32, #tpu.memory_space<vmem>>)
    %iota3A_488 = tpu.iota {dimensions = array<i32: 0>} : vector<16xi32>
    %add3A_489 = arith.constant 0 : i32
    %add3A_490 = vector.broadcast %add3A_489 : i32 to vector<16xi32>
    %add3A_491 = arith.addi %iota3A_488, %add3A_490 : vector<16xi32>
    %get3A_492 = arith.constant 512 : index
    %get3A_493 = tpu.vector_load %arg9[%get3A_492] {strides = array<i32>} : memref<1024xi32, #tpu.memory_space<vmem>>, vector<16xi32>,
    %get3A_494 = arith.constant 512 : index
    %get3A_495 = tpu.vector_load %arg8[%get3A_494] {strides = array<i32>} : memref<1024xi32, #tpu.memory_space<vmem>>, vector<16xi32>,
    %gather3A_496 = tpu.vector_load_idx %arg11[%add3A_491, %get3A_493] : memref<64x1000xf32, #tpu.memory_space<vmem>>[vector<16xi32>, vector<16xi32>], vector<16xf32>,
    %gather3A_497 = tpu.vector_load_idx %arg10[%get3A_495] : memref<1000xf32, #tpu.memory_space<vmem>>[vector<16xi32>], vector<16xf32>,
    %add3A_498 = arith.addf %sub3A_475, %gather3A_497 : vector<16xf32>
    %sub3A_499 = arith.subf %add3A_498, %gather3A_496 : vector<16xf32>
    %iota3A_500 = tpu.iota {dimensions = array<i32: 0>} : vector<16xi32>
    %add3A_501 = arith.constant 16 : i32
    %add3A_502 = vector.broadcast %add3A_501 : i32 to vector<16xi32>
    %add3A_503 = arith.addi %iota3A_500, %add3A_502 : vector<16xi32>
    %get3A_504 = arith.constant 528 : index
    %get3A_505 = tpu.vector_load %arg9[%get3A_504] {strides = array<i32>} : memref<1024xi32, #tpu.memory_space<vmem>>, vector<16xi32>,
    %get3A_506 = arith.constant 528 : index
    %get3A_507 = tpu.vector_load %arg8[%get3A_506] {strides = array<i32>} : memref<1024xi32, #tpu.memory_space<vmem>>, vector<16xi32>,
    %gather3A_508 = tpu.vector_load_idx %arg11[%add3A_503, %get3A_505] : memref<64x1000xf32, #tpu.memory_space<vmem>>[vector<16xi32>, vector<16xi32>], vector<16xf32>,
    %gather3A_509 = tpu.vector_load_idx %arg10[%get3A_507] : memref<1000xf32, #tpu.memory_space<vmem>>[vector<16xi32>], vector<16xf32>,
    %add3A_510 = arith.addf %sub3A_499, %gather3A_509 : vector<16xf32>
    %sub3A_511 = arith.subf %add3A_510, %gather3A_508 : vector<16xf32>
    %iota3A_512 = tpu.iota {dimensions = array<i32: 0>} : vector<16xi32>
    %add3A_513 = arith.constant 32 : i32
    %add3A_514 = vector.broadcast %add3A_513 : i32 to vector<16xi32>
    %add3A_515 = arith.addi %iota3A_512, %add3A_514 : vector<16xi32>
    %get3A_516 = arith.constant 544 : index
    %get3A_517 = tpu.vector_load %arg9[%get3A_516] {strides = array<i32>} : memref<1024xi32, #tpu.memory_space<vmem>>, vector<16xi32>,
    %get3A_518 = arith.constant 544 : index
    %get3A_519 = tpu.vector_load %arg8[%get3A_518] {strides = array<i32>} : memref<1024xi32, #tpu.memory_space<vmem>>, vector<16xi32>,
    %gather3A_520 = tpu.vector_load_idx %arg11[%add3A_515, %get3A_517] : memref<64x1000xf32, #tpu.memory_space<vmem>>[vector<16xi32>, vector<16xi32>], vector<16xf32>,
    %gather3A_521 = tpu.vector_load_idx %arg10[%get3A_519] : memref<1000xf32, #tpu.memory_space<vmem>>[vector<16xi32>], vector<16xf32>,
    %add3A_522 = arith.addf %sub3A_511, %gather3A_521 : vector<16xf32>
    %sub3A_523 = arith.subf %add3A_522, %gather3A_520 : vector<16xf32>
    %iota3A_524 = tpu.iota {dimensions = array<i32: 0>} : vector<16xi32>
    %add3A_525 = arith.constant 48 : i32
    %add3A_526 = vector.broadcast %add3A_525 : i32 to vector<16xi32>
    %add3A_527 = arith.addi %iota3A_524, %add3A_526 : vector<16xi32>
    %get3A_528 = arith.constant 560 : index
    %get3A_529 = tpu.vector_load %arg9[%get3A_528] {strides = array<i32>} : memref<1024xi32, #tpu.memory_space<vmem>>, vector<16xi32>,
    %get3A_530 = arith.constant 560 : index
    %get3A_531 = tpu.vector_load %arg8[%get3A_530] {strides = array<i32>} : memref<1024xi32, #tpu.memory_space<vmem>>, vector<16xi32>,
    %gather3A_532 = tpu.vector_load_idx %arg11[%add3A_527, %get3A_529] : memref<64x1000xf32, #tpu.memory_space<vmem>>[vector<16xi32>, vector<16xi32>], vector<16xf32>,
    %gather3A_533 = tpu.vector_load_idx %arg10[%get3A_531] : memref<1000xf32, #tpu.memory_space<vmem>>[vector<16xi32>], vector<16xf32>,
    %add3A_534 = arith.addf %sub3A_523, %gather3A_533 : vector<16xf32>
    %sub3A_535 = arith.subf %add3A_534, %gather3A_532 : vector<16xf32>
    %add3A_536 = arith.constant 512 : i32
    %add3A_537 = arith.addi %mul3A_2, %add3A_536 : i32
    "tpu.region"() ({
      %run_scoped3A = tpu.sem_alloc : memref<!tpu.dma_semaphore, #tpu.memory_space<semaphore_mem>>
      %dma_start3A_959 = arith.constant 0 : i32
      %dma_start3A_960 = tpu.memref_slice %arg6[%add3A_537, %dma_start3A_959] : memref<32768x1000xf32, #tpu.memory_space<hbm>> -> memref<64x1000xf32, #tpu.memory_space<hbm>>
      %dma_start3A_961 = arith.constant 0 : i32
      %dma_start3A_962 = tpu.memref_slice %arg6[%add3A_537, %dma_start3A_961] : memref<32768x1000xf32, #tpu.memory_space<hbm>> -> memref<64x1000xf32, #tpu.memory_space<hbm>>
      tpu.enqueue_dma source(%arg11 : memref<64x1000xf32, #tpu.memory_space<vmem>>) target(%dma_start3A_962 : memref<64x1000xf32, #tpu.memory_space<hbm>>) target_semaphore(%run_scoped3A : memref<!tpu.dma_semaphore, #tpu.memory_space<semaphore_mem>>)
      %dma_wait3A_963 = arith.constant 0 : i32
      %dma_wait3A_964 = tpu.memref_slice %arg6[%add3A_537, %dma_wait3A_963] : memref<32768x1000xf32, #tpu.memory_space<hbm>> -> memref<64x1000xf32, #tpu.memory_space<hbm>>
      %dma_wait3A_965 = arith.constant 0 : i32
      %dma_wait3A_966 = tpu.memref_slice %arg6[%add3A_537, %dma_wait3A_965] : memref<32768x1000xf32, #tpu.memory_space<hbm>> -> memref<64x1000xf32, #tpu.memory_space<hbm>>
      tpu.wait_dma2 semaphore(%run_scoped3A : memref<!tpu.dma_semaphore, #tpu.memory_space<semaphore_mem>>) src(%arg11 : memref<64x1000xf32, #tpu.memory_space<vmem>>) dst(%dma_wait3A_966 : memref<64x1000xf32, #tpu.memory_space<hbm>>)
      tpu.yield
    }) : () -> ()
    %dma_start3A_538 = arith.constant 576 : i32
    %dma_start3A_539 = tpu.memref_slice %arg8[%dma_start3A_538] : memref<1024xi32, #tpu.memory_space<vmem>> -> memref<64xi32, #tpu.memory_space<vmem>>
    %dma_start3A_540 = arith.constant 0 : i32
    %dma_start3A_541 = arith.constant 0 : i32
    %dma_start3A_542 = tpu.memref_slice %arg2[%dma_start3A_540, %dma_start3A_541] : memref<1000x1000xf32, #tpu.memory_space<hbm>> -> memref<1000x1000xf32, #tpu.memory_space<hbm>>
    tpu.enqueue_indirect_dma source(%dma_start3A_542 : memref<1000x1000xf32, #tpu.memory_space<hbm>>) target(%arg11 : memref<64x1000xf32, #tpu.memory_space<vmem>>) offsets(%dma_start3A_539 : memref<64xi32, #tpu.memory_space<vmem>>) semaphore(%arg13 : memref<!tpu.dma_semaphore, #tpu.memory_space<semaphore_mem>>)
    %dma_wait3A_543 = arith.constant 576 : i32
    %dma_wait3A_544 = tpu.memref_slice %arg8[%dma_wait3A_543] : memref<1024xi32, #tpu.memory_space<vmem>> -> memref<64xi32, #tpu.memory_space<vmem>>
    %dma_wait3A_545 = arith.constant 0 : i32
    %dma_wait3A_546 = arith.constant 0 : i32
    %dma_wait3A_547 = tpu.memref_slice %arg2[%dma_wait3A_545, %dma_wait3A_546] : memref<1000x1000xf32, #tpu.memory_space<hbm>> -> memref<1000x1000xf32, #tpu.memory_space<hbm>>
    tpu.wait_indirect_dma semaphore(%arg13 : memref<!tpu.dma_semaphore, #tpu.memory_space<semaphore_mem>>) src(%dma_wait3A_547 : memref<1000x1000xf32, #tpu.memory_space<hbm>>) dst(%arg11 : memref<64x1000xf32, #tpu.memory_space<vmem>>)
    %iota3A_548 = tpu.iota {dimensions = array<i32: 0>} : vector<16xi32>
    %add3A_549 = arith.constant 0 : i32
    %add3A_550 = vector.broadcast %add3A_549 : i32 to vector<16xi32>
    %add3A_551 = arith.addi %iota3A_548, %add3A_550 : vector<16xi32>
    %get3A_552 = arith.constant 576 : index
    %get3A_553 = tpu.vector_load %arg9[%get3A_552] {strides = array<i32>} : memref<1024xi32, #tpu.memory_space<vmem>>, vector<16xi32>,
    %get3A_554 = arith.constant 576 : index
    %get3A_555 = tpu.vector_load %arg8[%get3A_554] {strides = array<i32>} : memref<1024xi32, #tpu.memory_space<vmem>>, vector<16xi32>,
    %gather3A_556 = tpu.vector_load_idx %arg11[%add3A_551, %get3A_553] : memref<64x1000xf32, #tpu.memory_space<vmem>>[vector<16xi32>, vector<16xi32>], vector<16xf32>,
    %gather3A_557 = tpu.vector_load_idx %arg10[%get3A_555] : memref<1000xf32, #tpu.memory_space<vmem>>[vector<16xi32>], vector<16xf32>,
    %add3A_558 = arith.addf %sub3A_535, %gather3A_557 : vector<16xf32>
    %sub3A_559 = arith.subf %add3A_558, %gather3A_556 : vector<16xf32>
    %iota3A_560 = tpu.iota {dimensions = array<i32: 0>} : vector<16xi32>
    %add3A_561 = arith.constant 16 : i32
    %add3A_562 = vector.broadcast %add3A_561 : i32 to vector<16xi32>
    %add3A_563 = arith.addi %iota3A_560, %add3A_562 : vector<16xi32>
    %get3A_564 = arith.constant 592 : index
    %get3A_565 = tpu.vector_load %arg9[%get3A_564] {strides = array<i32>} : memref<1024xi32, #tpu.memory_space<vmem>>, vector<16xi32>,
    %get3A_566 = arith.constant 592 : index
    %get3A_567 = tpu.vector_load %arg8[%get3A_566] {strides = array<i32>} : memref<1024xi32, #tpu.memory_space<vmem>>, vector<16xi32>,
    %gather3A_568 = tpu.vector_load_idx %arg11[%add3A_563, %get3A_565] : memref<64x1000xf32, #tpu.memory_space<vmem>>[vector<16xi32>, vector<16xi32>], vector<16xf32>,
    %gather3A_569 = tpu.vector_load_idx %arg10[%get3A_567] : memref<1000xf32, #tpu.memory_space<vmem>>[vector<16xi32>], vector<16xf32>,
    %add3A_570 = arith.addf %sub3A_559, %gather3A_569 : vector<16xf32>
    %sub3A_571 = arith.subf %add3A_570, %gather3A_568 : vector<16xf32>
    %iota3A_572 = tpu.iota {dimensions = array<i32: 0>} : vector<16xi32>
    %add3A_573 = arith.constant 32 : i32
    %add3A_574 = vector.broadcast %add3A_573 : i32 to vector<16xi32>
    %add3A_575 = arith.addi %iota3A_572, %add3A_574 : vector<16xi32>
    %get3A_576 = arith.constant 608 : index
    %get3A_577 = tpu.vector_load %arg9[%get3A_576] {strides = array<i32>} : memref<1024xi32, #tpu.memory_space<vmem>>, vector<16xi32>,
    %get3A_578 = arith.constant 608 : index
    %get3A_579 = tpu.vector_load %arg8[%get3A_578] {strides = array<i32>} : memref<1024xi32, #tpu.memory_space<vmem>>, vector<16xi32>,
    %gather3A_580 = tpu.vector_load_idx %arg11[%add3A_575, %get3A_577] : memref<64x1000xf32, #tpu.memory_space<vmem>>[vector<16xi32>, vector<16xi32>], vector<16xf32>,
    %gather3A_581 = tpu.vector_load_idx %arg10[%get3A_579] : memref<1000xf32, #tpu.memory_space<vmem>>[vector<16xi32>], vector<16xf32>,
    %add3A_582 = arith.addf %sub3A_571, %gather3A_581 : vector<16xf32>
    %sub3A_583 = arith.subf %add3A_582, %gather3A_580 : vector<16xf32>
    %iota3A_584 = tpu.iota {dimensions = array<i32: 0>} : vector<16xi32>
    %add3A_585 = arith.constant 48 : i32
    %add3A_586 = vector.broadcast %add3A_585 : i32 to vector<16xi32>
    %add3A_587 = arith.addi %iota3A_584, %add3A_586 : vector<16xi32>
    %get3A_588 = arith.constant 624 : index
    %get3A_589 = tpu.vector_load %arg9[%get3A_588] {strides = array<i32>} : memref<1024xi32, #tpu.memory_space<vmem>>, vector<16xi32>,
    %get3A_590 = arith.constant 624 : index
    %get3A_591 = tpu.vector_load %arg8[%get3A_590] {strides = array<i32>} : memref<1024xi32, #tpu.memory_space<vmem>>, vector<16xi32>,
    %gather3A_592 = tpu.vector_load_idx %arg11[%add3A_587, %get3A_589] : memref<64x1000xf32, #tpu.memory_space<vmem>>[vector<16xi32>, vector<16xi32>], vector<16xf32>,
    %gather3A_593 = tpu.vector_load_idx %arg10[%get3A_591] : memref<1000xf32, #tpu.memory_space<vmem>>[vector<16xi32>], vector<16xf32>,
    %add3A_594 = arith.addf %sub3A_583, %gather3A_593 : vector<16xf32>
    %sub3A_595 = arith.subf %add3A_594, %gather3A_592 : vector<16xf32>
    %add3A_596 = arith.constant 576 : i32
    %add3A_597 = arith.addi %mul3A_2, %add3A_596 : i32
    "tpu.region"() ({
      %run_scoped3A = tpu.sem_alloc : memref<!tpu.dma_semaphore, #tpu.memory_space<semaphore_mem>>
      %dma_start3A_959 = arith.constant 0 : i32
      %dma_start3A_960 = tpu.memref_slice %arg6[%add3A_597, %dma_start3A_959] : memref<32768x1000xf32, #tpu.memory_space<hbm>> -> memref<64x1000xf32, #tpu.memory_space<hbm>>
      %dma_start3A_961 = arith.constant 0 : i32
      %dma_start3A_962 = tpu.memref_slice %arg6[%add3A_597, %dma_start3A_961] : memref<32768x1000xf32, #tpu.memory_space<hbm>> -> memref<64x1000xf32, #tpu.memory_space<hbm>>
      tpu.enqueue_dma source(%arg11 : memref<64x1000xf32, #tpu.memory_space<vmem>>) target(%dma_start3A_962 : memref<64x1000xf32, #tpu.memory_space<hbm>>) target_semaphore(%run_scoped3A : memref<!tpu.dma_semaphore, #tpu.memory_space<semaphore_mem>>)
      %dma_wait3A_963 = arith.constant 0 : i32
      %dma_wait3A_964 = tpu.memref_slice %arg6[%add3A_597, %dma_wait3A_963] : memref<32768x1000xf32, #tpu.memory_space<hbm>> -> memref<64x1000xf32, #tpu.memory_space<hbm>>
      %dma_wait3A_965 = arith.constant 0 : i32
      %dma_wait3A_966 = tpu.memref_slice %arg6[%add3A_597, %dma_wait3A_965] : memref<32768x1000xf32, #tpu.memory_space<hbm>> -> memref<64x1000xf32, #tpu.memory_space<hbm>>
      tpu.wait_dma2 semaphore(%run_scoped3A : memref<!tpu.dma_semaphore, #tpu.memory_space<semaphore_mem>>) src(%arg11 : memref<64x1000xf32, #tpu.memory_space<vmem>>) dst(%dma_wait3A_966 : memref<64x1000xf32, #tpu.memory_space<hbm>>)
      tpu.yield
    }) : () -> ()
    %dma_start3A_598 = arith.constant 640 : i32
    %dma_start3A_599 = tpu.memref_slice %arg8[%dma_start3A_598] : memref<1024xi32, #tpu.memory_space<vmem>> -> memref<64xi32, #tpu.memory_space<vmem>>
    %dma_start3A_600 = arith.constant 0 : i32
    %dma_start3A_601 = arith.constant 0 : i32
    %dma_start3A_602 = tpu.memref_slice %arg2[%dma_start3A_600, %dma_start3A_601] : memref<1000x1000xf32, #tpu.memory_space<hbm>> -> memref<1000x1000xf32, #tpu.memory_space<hbm>>
    tpu.enqueue_indirect_dma source(%dma_start3A_602 : memref<1000x1000xf32, #tpu.memory_space<hbm>>) target(%arg11 : memref<64x1000xf32, #tpu.memory_space<vmem>>) offsets(%dma_start3A_599 : memref<64xi32, #tpu.memory_space<vmem>>) semaphore(%arg13 : memref<!tpu.dma_semaphore, #tpu.memory_space<semaphore_mem>>)
    %dma_wait3A_603 = arith.constant 640 : i32
    %dma_wait3A_604 = tpu.memref_slice %arg8[%dma_wait3A_603] : memref<1024xi32, #tpu.memory_space<vmem>> -> memref<64xi32, #tpu.memory_space<vmem>>
    %dma_wait3A_605 = arith.constant 0 : i32
    %dma_wait3A_606 = arith.constant 0 : i32
    %dma_wait3A_607 = tpu.memref_slice %arg2[%dma_wait3A_605, %dma_wait3A_606] : memref<1000x1000xf32, #tpu.memory_space<hbm>> -> memref<1000x1000xf32, #tpu.memory_space<hbm>>
    tpu.wait_indirect_dma semaphore(%arg13 : memref<!tpu.dma_semaphore, #tpu.memory_space<semaphore_mem>>) src(%dma_wait3A_607 : memref<1000x1000xf32, #tpu.memory_space<hbm>>) dst(%arg11 : memref<64x1000xf32, #tpu.memory_space<vmem>>)
    %iota3A_608 = tpu.iota {dimensions = array<i32: 0>} : vector<16xi32>
    %add3A_609 = arith.constant 0 : i32
    %add3A_610 = vector.broadcast %add3A_609 : i32 to vector<16xi32>
    %add3A_611 = arith.addi %iota3A_608, %add3A_610 : vector<16xi32>
    %get3A_612 = arith.constant 640 : index
    %get3A_613 = tpu.vector_load %arg9[%get3A_612] {strides = array<i32>} : memref<1024xi32, #tpu.memory_space<vmem>>, vector<16xi32>,
    %get3A_614 = arith.constant 640 : index
    %get3A_615 = tpu.vector_load %arg8[%get3A_614] {strides = array<i32>} : memref<1024xi32, #tpu.memory_space<vmem>>, vector<16xi32>,
    %gather3A_616 = tpu.vector_load_idx %arg11[%add3A_611, %get3A_613] : memref<64x1000xf32, #tpu.memory_space<vmem>>[vector<16xi32>, vector<16xi32>], vector<16xf32>,
    %gather3A_617 = tpu.vector_load_idx %arg10[%get3A_615] : memref<1000xf32, #tpu.memory_space<vmem>>[vector<16xi32>], vector<16xf32>,
    %add3A_618 = arith.addf %sub3A_595, %gather3A_617 : vector<16xf32>
    %sub3A_619 = arith.subf %add3A_618, %gather3A_616 : vector<16xf32>
    %iota3A_620 = tpu.iota {dimensions = array<i32: 0>} : vector<16xi32>
    %add3A_621 = arith.constant 16 : i32
    %add3A_622 = vector.broadcast %add3A_621 : i32 to vector<16xi32>
    %add3A_623 = arith.addi %iota3A_620, %add3A_622 : vector<16xi32>
    %get3A_624 = arith.constant 656 : index
    %get3A_625 = tpu.vector_load %arg9[%get3A_624] {strides = array<i32>} : memref<1024xi32, #tpu.memory_space<vmem>>, vector<16xi32>,
    %get3A_626 = arith.constant 656 : index
    %get3A_627 = tpu.vector_load %arg8[%get3A_626] {strides = array<i32>} : memref<1024xi32, #tpu.memory_space<vmem>>, vector<16xi32>,
    %gather3A_628 = tpu.vector_load_idx %arg11[%add3A_623, %get3A_625] : memref<64x1000xf32, #tpu.memory_space<vmem>>[vector<16xi32>, vector<16xi32>], vector<16xf32>,
    %gather3A_629 = tpu.vector_load_idx %arg10[%get3A_627] : memref<1000xf32, #tpu.memory_space<vmem>>[vector<16xi32>], vector<16xf32>,
    %add3A_630 = arith.addf %sub3A_619, %gather3A_629 : vector<16xf32>
    %sub3A_631 = arith.subf %add3A_630, %gather3A_628 : vector<16xf32>
    %iota3A_632 = tpu.iota {dimensions = array<i32: 0>} : vector<16xi32>
    %add3A_633 = arith.constant 32 : i32
    %add3A_634 = vector.broadcast %add3A_633 : i32 to vector<16xi32>
    %add3A_635 = arith.addi %iota3A_632, %add3A_634 : vector<16xi32>
    %get3A_636 = arith.constant 672 : index
    %get3A_637 = tpu.vector_load %arg9[%get3A_636] {strides = array<i32>} : memref<1024xi32, #tpu.memory_space<vmem>>, vector<16xi32>,
    %get3A_638 = arith.constant 672 : index
    %get3A_639 = tpu.vector_load %arg8[%get3A_638] {strides = array<i32>} : memref<1024xi32, #tpu.memory_space<vmem>>, vector<16xi32>,
    %gather3A_640 = tpu.vector_load_idx %arg11[%add3A_635, %get3A_637] : memref<64x1000xf32, #tpu.memory_space<vmem>>[vector<16xi32>, vector<16xi32>], vector<16xf32>,
    %gather3A_641 = tpu.vector_load_idx %arg10[%get3A_639] : memref<1000xf32, #tpu.memory_space<vmem>>[vector<16xi32>], vector<16xf32>,
    %add3A_642 = arith.addf %sub3A_631, %gather3A_641 : vector<16xf32>
    %sub3A_643 = arith.subf %add3A_642, %gather3A_640 : vector<16xf32>
    %iota3A_644 = tpu.iota {dimensions = array<i32: 0>} : vector<16xi32>
    %add3A_645 = arith.constant 48 : i32
    %add3A_646 = vector.broadcast %add3A_645 : i32 to vector<16xi32>
    %add3A_647 = arith.addi %iota3A_644, %add3A_646 : vector<16xi32>
    %get3A_648 = arith.constant 688 : index
    %get3A_649 = tpu.vector_load %arg9[%get3A_648] {strides = array<i32>} : memref<1024xi32, #tpu.memory_space<vmem>>, vector<16xi32>,
    %get3A_650 = arith.constant 688 : index
    %get3A_651 = tpu.vector_load %arg8[%get3A_650] {strides = array<i32>} : memref<1024xi32, #tpu.memory_space<vmem>>, vector<16xi32>,
    %gather3A_652 = tpu.vector_load_idx %arg11[%add3A_647, %get3A_649] : memref<64x1000xf32, #tpu.memory_space<vmem>>[vector<16xi32>, vector<16xi32>], vector<16xf32>,
    %gather3A_653 = tpu.vector_load_idx %arg10[%get3A_651] : memref<1000xf32, #tpu.memory_space<vmem>>[vector<16xi32>], vector<16xf32>,
    %add3A_654 = arith.addf %sub3A_643, %gather3A_653 : vector<16xf32>
    %sub3A_655 = arith.subf %add3A_654, %gather3A_652 : vector<16xf32>
    %add3A_656 = arith.constant 640 : i32
    %add3A_657 = arith.addi %mul3A_2, %add3A_656 : i32
    "tpu.region"() ({
      %run_scoped3A = tpu.sem_alloc : memref<!tpu.dma_semaphore, #tpu.memory_space<semaphore_mem>>
      %dma_start3A_959 = arith.constant 0 : i32
      %dma_start3A_960 = tpu.memref_slice %arg6[%add3A_657, %dma_start3A_959] : memref<32768x1000xf32, #tpu.memory_space<hbm>> -> memref<64x1000xf32, #tpu.memory_space<hbm>>
      %dma_start3A_961 = arith.constant 0 : i32
      %dma_start3A_962 = tpu.memref_slice %arg6[%add3A_657, %dma_start3A_961] : memref<32768x1000xf32, #tpu.memory_space<hbm>> -> memref<64x1000xf32, #tpu.memory_space<hbm>>
      tpu.enqueue_dma source(%arg11 : memref<64x1000xf32, #tpu.memory_space<vmem>>) target(%dma_start3A_962 : memref<64x1000xf32, #tpu.memory_space<hbm>>) target_semaphore(%run_scoped3A : memref<!tpu.dma_semaphore, #tpu.memory_space<semaphore_mem>>)
      %dma_wait3A_963 = arith.constant 0 : i32
      %dma_wait3A_964 = tpu.memref_slice %arg6[%add3A_657, %dma_wait3A_963] : memref<32768x1000xf32, #tpu.memory_space<hbm>> -> memref<64x1000xf32, #tpu.memory_space<hbm>>
      %dma_wait3A_965 = arith.constant 0 : i32
      %dma_wait3A_966 = tpu.memref_slice %arg6[%add3A_657, %dma_wait3A_965] : memref<32768x1000xf32, #tpu.memory_space<hbm>> -> memref<64x1000xf32, #tpu.memory_space<hbm>>
      tpu.wait_dma2 semaphore(%run_scoped3A : memref<!tpu.dma_semaphore, #tpu.memory_space<semaphore_mem>>) src(%arg11 : memref<64x1000xf32, #tpu.memory_space<vmem>>) dst(%dma_wait3A_966 : memref<64x1000xf32, #tpu.memory_space<hbm>>)
      tpu.yield
    }) : () -> ()
    %dma_start3A_658 = arith.constant 704 : i32
    %dma_start3A_659 = tpu.memref_slice %arg8[%dma_start3A_658] : memref<1024xi32, #tpu.memory_space<vmem>> -> memref<64xi32, #tpu.memory_space<vmem>>
    %dma_start3A_660 = arith.constant 0 : i32
    %dma_start3A_661 = arith.constant 0 : i32
    %dma_start3A_662 = tpu.memref_slice %arg2[%dma_start3A_660, %dma_start3A_661] : memref<1000x1000xf32, #tpu.memory_space<hbm>> -> memref<1000x1000xf32, #tpu.memory_space<hbm>>
    tpu.enqueue_indirect_dma source(%dma_start3A_662 : memref<1000x1000xf32, #tpu.memory_space<hbm>>) target(%arg11 : memref<64x1000xf32, #tpu.memory_space<vmem>>) offsets(%dma_start3A_659 : memref<64xi32, #tpu.memory_space<vmem>>) semaphore(%arg13 : memref<!tpu.dma_semaphore, #tpu.memory_space<semaphore_mem>>)
    %dma_wait3A_663 = arith.constant 704 : i32
    %dma_wait3A_664 = tpu.memref_slice %arg8[%dma_wait3A_663] : memref<1024xi32, #tpu.memory_space<vmem>> -> memref<64xi32, #tpu.memory_space<vmem>>
    %dma_wait3A_665 = arith.constant 0 : i32
    %dma_wait3A_666 = arith.constant 0 : i32
    %dma_wait3A_667 = tpu.memref_slice %arg2[%dma_wait3A_665, %dma_wait3A_666] : memref<1000x1000xf32, #tpu.memory_space<hbm>> -> memref<1000x1000xf32, #tpu.memory_space<hbm>>
    tpu.wait_indirect_dma semaphore(%arg13 : memref<!tpu.dma_semaphore, #tpu.memory_space<semaphore_mem>>) src(%dma_wait3A_667 : memref<1000x1000xf32, #tpu.memory_space<hbm>>) dst(%arg11 : memref<64x1000xf32, #tpu.memory_space<vmem>>)
    %iota3A_668 = tpu.iota {dimensions = array<i32: 0>} : vector<16xi32>
    %add3A_669 = arith.constant 0 : i32
    %add3A_670 = vector.broadcast %add3A_669 : i32 to vector<16xi32>
    %add3A_671 = arith.addi %iota3A_668, %add3A_670 : vector<16xi32>
    %get3A_672 = arith.constant 704 : index
    %get3A_673 = tpu.vector_load %arg9[%get3A_672] {strides = array<i32>} : memref<1024xi32, #tpu.memory_space<vmem>>, vector<16xi32>,
    %get3A_674 = arith.constant 704 : index
    %get3A_675 = tpu.vector_load %arg8[%get3A_674] {strides = array<i32>} : memref<1024xi32, #tpu.memory_space<vmem>>, vector<16xi32>,
    %gather3A_676 = tpu.vector_load_idx %arg11[%add3A_671, %get3A_673] : memref<64x1000xf32, #tpu.memory_space<vmem>>[vector<16xi32>, vector<16xi32>], vector<16xf32>,
    %gather3A_677 = tpu.vector_load_idx %arg10[%get3A_675] : memref<1000xf32, #tpu.memory_space<vmem>>[vector<16xi32>], vector<16xf32>,
    %add3A_678 = arith.addf %sub3A_655, %gather3A_677 : vector<16xf32>
    %sub3A_679 = arith.subf %add3A_678, %gather3A_676 : vector<16xf32>
    %iota3A_680 = tpu.iota {dimensions = array<i32: 0>} : vector<16xi32>
    %add3A_681 = arith.constant 16 : i32
    %add3A_682 = vector.broadcast %add3A_681 : i32 to vector<16xi32>
    %add3A_683 = arith.addi %iota3A_680, %add3A_682 : vector<16xi32>
    %get3A_684 = arith.constant 720 : index
    %get3A_685 = tpu.vector_load %arg9[%get3A_684] {strides = array<i32>} : memref<1024xi32, #tpu.memory_space<vmem>>, vector<16xi32>,
    %get3A_686 = arith.constant 720 : index
    %get3A_687 = tpu.vector_load %arg8[%get3A_686] {strides = array<i32>} : memref<1024xi32, #tpu.memory_space<vmem>>, vector<16xi32>,
    %gather3A_688 = tpu.vector_load_idx %arg11[%add3A_683, %get3A_685] : memref<64x1000xf32, #tpu.memory_space<vmem>>[vector<16xi32>, vector<16xi32>], vector<16xf32>,
    %gather3A_689 = tpu.vector_load_idx %arg10[%get3A_687] : memref<1000xf32, #tpu.memory_space<vmem>>[vector<16xi32>], vector<16xf32>,
    %add3A_690 = arith.addf %sub3A_679, %gather3A_689 : vector<16xf32>
    %sub3A_691 = arith.subf %add3A_690, %gather3A_688 : vector<16xf32>
    %iota3A_692 = tpu.iota {dimensions = array<i32: 0>} : vector<16xi32>
    %add3A_693 = arith.constant 32 : i32
    %add3A_694 = vector.broadcast %add3A_693 : i32 to vector<16xi32>
    %add3A_695 = arith.addi %iota3A_692, %add3A_694 : vector<16xi32>
    %get3A_696 = arith.constant 736 : index
    %get3A_697 = tpu.vector_load %arg9[%get3A_696] {strides = array<i32>} : memref<1024xi32, #tpu.memory_space<vmem>>, vector<16xi32>,
    %get3A_698 = arith.constant 736 : index
    %get3A_699 = tpu.vector_load %arg8[%get3A_698] {strides = array<i32>} : memref<1024xi32, #tpu.memory_space<vmem>>, vector<16xi32>,
    %gather3A_700 = tpu.vector_load_idx %arg11[%add3A_695, %get3A_697] : memref<64x1000xf32, #tpu.memory_space<vmem>>[vector<16xi32>, vector<16xi32>], vector<16xf32>,
    %gather3A_701 = tpu.vector_load_idx %arg10[%get3A_699] : memref<1000xf32, #tpu.memory_space<vmem>>[vector<16xi32>], vector<16xf32>,
    %add3A_702 = arith.addf %sub3A_691, %gather3A_701 : vector<16xf32>
    %sub3A_703 = arith.subf %add3A_702, %gather3A_700 : vector<16xf32>
    %iota3A_704 = tpu.iota {dimensions = array<i32: 0>} : vector<16xi32>
    %add3A_705 = arith.constant 48 : i32
    %add3A_706 = vector.broadcast %add3A_705 : i32 to vector<16xi32>
    %add3A_707 = arith.addi %iota3A_704, %add3A_706 : vector<16xi32>
    %get3A_708 = arith.constant 752 : index
    %get3A_709 = tpu.vector_load %arg9[%get3A_708] {strides = array<i32>} : memref<1024xi32, #tpu.memory_space<vmem>>, vector<16xi32>,
    %get3A_710 = arith.constant 752 : index
    %get3A_711 = tpu.vector_load %arg8[%get3A_710] {strides = array<i32>} : memref<1024xi32, #tpu.memory_space<vmem>>, vector<16xi32>,
    %gather3A_712 = tpu.vector_load_idx %arg11[%add3A_707, %get3A_709] : memref<64x1000xf32, #tpu.memory_space<vmem>>[vector<16xi32>, vector<16xi32>], vector<16xf32>,
    %gather3A_713 = tpu.vector_load_idx %arg10[%get3A_711] : memref<1000xf32, #tpu.memory_space<vmem>>[vector<16xi32>], vector<16xf32>,
    %add3A_714 = arith.addf %sub3A_703, %gather3A_713 : vector<16xf32>
    %sub3A_715 = arith.subf %add3A_714, %gather3A_712 : vector<16xf32>
    %add3A_716 = arith.constant 704 : i32
    %add3A_717 = arith.addi %mul3A_2, %add3A_716 : i32
    "tpu.region"() ({
      %run_scoped3A = tpu.sem_alloc : memref<!tpu.dma_semaphore, #tpu.memory_space<semaphore_mem>>
      %dma_start3A_959 = arith.constant 0 : i32
      %dma_start3A_960 = tpu.memref_slice %arg6[%add3A_717, %dma_start3A_959] : memref<32768x1000xf32, #tpu.memory_space<hbm>> -> memref<64x1000xf32, #tpu.memory_space<hbm>>
      %dma_start3A_961 = arith.constant 0 : i32
      %dma_start3A_962 = tpu.memref_slice %arg6[%add3A_717, %dma_start3A_961] : memref<32768x1000xf32, #tpu.memory_space<hbm>> -> memref<64x1000xf32, #tpu.memory_space<hbm>>
      tpu.enqueue_dma source(%arg11 : memref<64x1000xf32, #tpu.memory_space<vmem>>) target(%dma_start3A_962 : memref<64x1000xf32, #tpu.memory_space<hbm>>) target_semaphore(%run_scoped3A : memref<!tpu.dma_semaphore, #tpu.memory_space<semaphore_mem>>)
      %dma_wait3A_963 = arith.constant 0 : i32
      %dma_wait3A_964 = tpu.memref_slice %arg6[%add3A_717, %dma_wait3A_963] : memref<32768x1000xf32, #tpu.memory_space<hbm>> -> memref<64x1000xf32, #tpu.memory_space<hbm>>
      %dma_wait3A_965 = arith.constant 0 : i32
      %dma_wait3A_966 = tpu.memref_slice %arg6[%add3A_717, %dma_wait3A_965] : memref<32768x1000xf32, #tpu.memory_space<hbm>> -> memref<64x1000xf32, #tpu.memory_space<hbm>>
      tpu.wait_dma2 semaphore(%run_scoped3A : memref<!tpu.dma_semaphore, #tpu.memory_space<semaphore_mem>>) src(%arg11 : memref<64x1000xf32, #tpu.memory_space<vmem>>) dst(%dma_wait3A_966 : memref<64x1000xf32, #tpu.memory_space<hbm>>)
      tpu.yield
    }) : () -> ()
    %dma_start3A_718 = arith.constant 768 : i32
    %dma_start3A_719 = tpu.memref_slice %arg8[%dma_start3A_718] : memref<1024xi32, #tpu.memory_space<vmem>> -> memref<64xi32, #tpu.memory_space<vmem>>
    %dma_start3A_720 = arith.constant 0 : i32
    %dma_start3A_721 = arith.constant 0 : i32
    %dma_start3A_722 = tpu.memref_slice %arg2[%dma_start3A_720, %dma_start3A_721] : memref<1000x1000xf32, #tpu.memory_space<hbm>> -> memref<1000x1000xf32, #tpu.memory_space<hbm>>
    tpu.enqueue_indirect_dma source(%dma_start3A_722 : memref<1000x1000xf32, #tpu.memory_space<hbm>>) target(%arg11 : memref<64x1000xf32, #tpu.memory_space<vmem>>) offsets(%dma_start3A_719 : memref<64xi32, #tpu.memory_space<vmem>>) semaphore(%arg13 : memref<!tpu.dma_semaphore, #tpu.memory_space<semaphore_mem>>)
    %dma_wait3A_723 = arith.constant 768 : i32
    %dma_wait3A_724 = tpu.memref_slice %arg8[%dma_wait3A_723] : memref<1024xi32, #tpu.memory_space<vmem>> -> memref<64xi32, #tpu.memory_space<vmem>>
    %dma_wait3A_725 = arith.constant 0 : i32
    %dma_wait3A_726 = arith.constant 0 : i32
    %dma_wait3A_727 = tpu.memref_slice %arg2[%dma_wait3A_725, %dma_wait3A_726] : memref<1000x1000xf32, #tpu.memory_space<hbm>> -> memref<1000x1000xf32, #tpu.memory_space<hbm>>
    tpu.wait_indirect_dma semaphore(%arg13 : memref<!tpu.dma_semaphore, #tpu.memory_space<semaphore_mem>>) src(%dma_wait3A_727 : memref<1000x1000xf32, #tpu.memory_space<hbm>>) dst(%arg11 : memref<64x1000xf32, #tpu.memory_space<vmem>>)
    %iota3A_728 = tpu.iota {dimensions = array<i32: 0>} : vector<16xi32>
    %add3A_729 = arith.constant 0 : i32
    %add3A_730 = vector.broadcast %add3A_729 : i32 to vector<16xi32>
    %add3A_731 = arith.addi %iota3A_728, %add3A_730 : vector<16xi32>
    %get3A_732 = arith.constant 768 : index
    %get3A_733 = tpu.vector_load %arg9[%get3A_732] {strides = array<i32>} : memref<1024xi32, #tpu.memory_space<vmem>>, vector<16xi32>,
    %get3A_734 = arith.constant 768 : index
    %get3A_735 = tpu.vector_load %arg8[%get3A_734] {strides = array<i32>} : memref<1024xi32, #tpu.memory_space<vmem>>, vector<16xi32>,
    %gather3A_736 = tpu.vector_load_idx %arg11[%add3A_731, %get3A_733] : memref<64x1000xf32, #tpu.memory_space<vmem>>[vector<16xi32>, vector<16xi32>], vector<16xf32>,
    %gather3A_737 = tpu.vector_load_idx %arg10[%get3A_735] : memref<1000xf32, #tpu.memory_space<vmem>>[vector<16xi32>], vector<16xf32>,
    %add3A_738 = arith.addf %sub3A_715, %gather3A_737 : vector<16xf32>
    %sub3A_739 = arith.subf %add3A_738, %gather3A_736 : vector<16xf32>
    %iota3A_740 = tpu.iota {dimensions = array<i32: 0>} : vector<16xi32>
    %add3A_741 = arith.constant 16 : i32
    %add3A_742 = vector.broadcast %add3A_741 : i32 to vector<16xi32>
    %add3A_743 = arith.addi %iota3A_740, %add3A_742 : vector<16xi32>
    %get3A_744 = arith.constant 784 : index
    %get3A_745 = tpu.vector_load %arg9[%get3A_744] {strides = array<i32>} : memref<1024xi32, #tpu.memory_space<vmem>>, vector<16xi32>,
    %get3A_746 = arith.constant 784 : index
    %get3A_747 = tpu.vector_load %arg8[%get3A_746] {strides = array<i32>} : memref<1024xi32, #tpu.memory_space<vmem>>, vector<16xi32>,
    %gather3A_748 = tpu.vector_load_idx %arg11[%add3A_743, %get3A_745] : memref<64x1000xf32, #tpu.memory_space<vmem>>[vector<16xi32>, vector<16xi32>], vector<16xf32>,
    %gather3A_749 = tpu.vector_load_idx %arg10[%get3A_747] : memref<1000xf32, #tpu.memory_space<vmem>>[vector<16xi32>], vector<16xf32>,
    %add3A_750 = arith.addf %sub3A_739, %gather3A_749 : vector<16xf32>
    %sub3A_751 = arith.subf %add3A_750, %gather3A_748 : vector<16xf32>
    %iota3A_752 = tpu.iota {dimensions = array<i32: 0>} : vector<16xi32>
    %add3A_753 = arith.constant 32 : i32
    %add3A_754 = vector.broadcast %add3A_753 : i32 to vector<16xi32>
    %add3A_755 = arith.addi %iota3A_752, %add3A_754 : vector<16xi32>
    %get3A_756 = arith.constant 800 : index
    %get3A_757 = tpu.vector_load %arg9[%get3A_756] {strides = array<i32>} : memref<1024xi32, #tpu.memory_space<vmem>>, vector<16xi32>,
    %get3A_758 = arith.constant 800 : index
    %get3A_759 = tpu.vector_load %arg8[%get3A_758] {strides = array<i32>} : memref<1024xi32, #tpu.memory_space<vmem>>, vector<16xi32>,
    %gather3A_760 = tpu.vector_load_idx %arg11[%add3A_755, %get3A_757] : memref<64x1000xf32, #tpu.memory_space<vmem>>[vector<16xi32>, vector<16xi32>], vector<16xf32>,
    %gather3A_761 = tpu.vector_load_idx %arg10[%get3A_759] : memref<1000xf32, #tpu.memory_space<vmem>>[vector<16xi32>], vector<16xf32>,
    %add3A_762 = arith.addf %sub3A_751, %gather3A_761 : vector<16xf32>
    %sub3A_763 = arith.subf %add3A_762, %gather3A_760 : vector<16xf32>
    %iota3A_764 = tpu.iota {dimensions = array<i32: 0>} : vector<16xi32>
    %add3A_765 = arith.constant 48 : i32
    %add3A_766 = vector.broadcast %add3A_765 : i32 to vector<16xi32>
    %add3A_767 = arith.addi %iota3A_764, %add3A_766 : vector<16xi32>
    %get3A_768 = arith.constant 816 : index
    %get3A_769 = tpu.vector_load %arg9[%get3A_768] {strides = array<i32>} : memref<1024xi32, #tpu.memory_space<vmem>>, vector<16xi32>,
    %get3A_770 = arith.constant 816 : index
    %get3A_771 = tpu.vector_load %arg8[%get3A_770] {strides = array<i32>} : memref<1024xi32, #tpu.memory_space<vmem>>, vector<16xi32>,
    %gather3A_772 = tpu.vector_load_idx %arg11[%add3A_767, %get3A_769] : memref<64x1000xf32, #tpu.memory_space<vmem>>[vector<16xi32>, vector<16xi32>], vector<16xf32>,
    %gather3A_773 = tpu.vector_load_idx %arg10[%get3A_771] : memref<1000xf32, #tpu.memory_space<vmem>>[vector<16xi32>], vector<16xf32>,
    %add3A_774 = arith.addf %sub3A_763, %gather3A_773 : vector<16xf32>
    %sub3A_775 = arith.subf %add3A_774, %gather3A_772 : vector<16xf32>
    %add3A_776 = arith.constant 768 : i32
    %add3A_777 = arith.addi %mul3A_2, %add3A_776 : i32
    "tpu.region"() ({
      %run_scoped3A = tpu.sem_alloc : memref<!tpu.dma_semaphore, #tpu.memory_space<semaphore_mem>>
      %dma_start3A_959 = arith.constant 0 : i32
      %dma_start3A_960 = tpu.memref_slice %arg6[%add3A_777, %dma_start3A_959] : memref<32768x1000xf32, #tpu.memory_space<hbm>> -> memref<64x1000xf32, #tpu.memory_space<hbm>>
      %dma_start3A_961 = arith.constant 0 : i32
      %dma_start3A_962 = tpu.memref_slice %arg6[%add3A_777, %dma_start3A_961] : memref<32768x1000xf32, #tpu.memory_space<hbm>> -> memref<64x1000xf32, #tpu.memory_space<hbm>>
      tpu.enqueue_dma source(%arg11 : memref<64x1000xf32, #tpu.memory_space<vmem>>) target(%dma_start3A_962 : memref<64x1000xf32, #tpu.memory_space<hbm>>) target_semaphore(%run_scoped3A : memref<!tpu.dma_semaphore, #tpu.memory_space<semaphore_mem>>)
      %dma_wait3A_963 = arith.constant 0 : i32
      %dma_wait3A_964 = tpu.memref_slice %arg6[%add3A_777, %dma_wait3A_963] : memref<32768x1000xf32, #tpu.memory_space<hbm>> -> memref<64x1000xf32, #tpu.memory_space<hbm>>
      %dma_wait3A_965 = arith.constant 0 : i32
      %dma_wait3A_966 = tpu.memref_slice %arg6[%add3A_777, %dma_wait3A_965] : memref<32768x1000xf32, #tpu.memory_space<hbm>> -> memref<64x1000xf32, #tpu.memory_space<hbm>>
      tpu.wait_dma2 semaphore(%run_scoped3A : memref<!tpu.dma_semaphore, #tpu.memory_space<semaphore_mem>>) src(%arg11 : memref<64x1000xf32, #tpu.memory_space<vmem>>) dst(%dma_wait3A_966 : memref<64x1000xf32, #tpu.memory_space<hbm>>)
      tpu.yield
    }) : () -> ()
    %dma_start3A_778 = arith.constant 832 : i32
    %dma_start3A_779 = tpu.memref_slice %arg8[%dma_start3A_778] : memref<1024xi32, #tpu.memory_space<vmem>> -> memref<64xi32, #tpu.memory_space<vmem>>
    %dma_start3A_780 = arith.constant 0 : i32
    %dma_start3A_781 = arith.constant 0 : i32
    %dma_start3A_782 = tpu.memref_slice %arg2[%dma_start3A_780, %dma_start3A_781] : memref<1000x1000xf32, #tpu.memory_space<hbm>> -> memref<1000x1000xf32, #tpu.memory_space<hbm>>
    tpu.enqueue_indirect_dma source(%dma_start3A_782 : memref<1000x1000xf32, #tpu.memory_space<hbm>>) target(%arg11 : memref<64x1000xf32, #tpu.memory_space<vmem>>) offsets(%dma_start3A_779 : memref<64xi32, #tpu.memory_space<vmem>>) semaphore(%arg13 : memref<!tpu.dma_semaphore, #tpu.memory_space<semaphore_mem>>)
    %dma_wait3A_783 = arith.constant 832 : i32
    %dma_wait3A_784 = tpu.memref_slice %arg8[%dma_wait3A_783] : memref<1024xi32, #tpu.memory_space<vmem>> -> memref<64xi32, #tpu.memory_space<vmem>>
    %dma_wait3A_785 = arith.constant 0 : i32
    %dma_wait3A_786 = arith.constant 0 : i32
    %dma_wait3A_787 = tpu.memref_slice %arg2[%dma_wait3A_785, %dma_wait3A_786] : memref<1000x1000xf32, #tpu.memory_space<hbm>> -> memref<1000x1000xf32, #tpu.memory_space<hbm>>
    tpu.wait_indirect_dma semaphore(%arg13 : memref<!tpu.dma_semaphore, #tpu.memory_space<semaphore_mem>>) src(%dma_wait3A_787 : memref<1000x1000xf32, #tpu.memory_space<hbm>>) dst(%arg11 : memref<64x1000xf32, #tpu.memory_space<vmem>>)
    %iota3A_788 = tpu.iota {dimensions = array<i32: 0>} : vector<16xi32>
    %add3A_789 = arith.constant 0 : i32
    %add3A_790 = vector.broadcast %add3A_789 : i32 to vector<16xi32>
    %add3A_791 = arith.addi %iota3A_788, %add3A_790 : vector<16xi32>
    %get3A_792 = arith.constant 832 : index
    %get3A_793 = tpu.vector_load %arg9[%get3A_792] {strides = array<i32>} : memref<1024xi32, #tpu.memory_space<vmem>>, vector<16xi32>,
    %get3A_794 = arith.constant 832 : index
    %get3A_795 = tpu.vector_load %arg8[%get3A_794] {strides = array<i32>} : memref<1024xi32, #tpu.memory_space<vmem>>, vector<16xi32>,
    %gather3A_796 = tpu.vector_load_idx %arg11[%add3A_791, %get3A_793] : memref<64x1000xf32, #tpu.memory_space<vmem>>[vector<16xi32>, vector<16xi32>], vector<16xf32>,
    %gather3A_797 = tpu.vector_load_idx %arg10[%get3A_795] : memref<1000xf32, #tpu.memory_space<vmem>>[vector<16xi32>], vector<16xf32>,
    %add3A_798 = arith.addf %sub3A_775, %gather3A_797 : vector<16xf32>
    %sub3A_799 = arith.subf %add3A_798, %gather3A_796 : vector<16xf32>
    %iota3A_800 = tpu.iota {dimensions = array<i32: 0>} : vector<16xi32>
    %add3A_801 = arith.constant 16 : i32
    %add3A_802 = vector.broadcast %add3A_801 : i32 to vector<16xi32>
    %add3A_803 = arith.addi %iota3A_800, %add3A_802 : vector<16xi32>
    %get3A_804 = arith.constant 848 : index
    %get3A_805 = tpu.vector_load %arg9[%get3A_804] {strides = array<i32>} : memref<1024xi32, #tpu.memory_space<vmem>>, vector<16xi32>,
    %get3A_806 = arith.constant 848 : index
    %get3A_807 = tpu.vector_load %arg8[%get3A_806] {strides = array<i32>} : memref<1024xi32, #tpu.memory_space<vmem>>, vector<16xi32>,
    %gather3A_808 = tpu.vector_load_idx %arg11[%add3A_803, %get3A_805] : memref<64x1000xf32, #tpu.memory_space<vmem>>[vector<16xi32>, vector<16xi32>], vector<16xf32>,
    %gather3A_809 = tpu.vector_load_idx %arg10[%get3A_807] : memref<1000xf32, #tpu.memory_space<vmem>>[vector<16xi32>], vector<16xf32>,
    %add3A_810 = arith.addf %sub3A_799, %gather3A_809 : vector<16xf32>
    %sub3A_811 = arith.subf %add3A_810, %gather3A_808 : vector<16xf32>
    %iota3A_812 = tpu.iota {dimensions = array<i32: 0>} : vector<16xi32>
    %add3A_813 = arith.constant 32 : i32
    %add3A_814 = vector.broadcast %add3A_813 : i32 to vector<16xi32>
    %add3A_815 = arith.addi %iota3A_812, %add3A_814 : vector<16xi32>
    %get3A_816 = arith.constant 864 : index
    %get3A_817 = tpu.vector_load %arg9[%get3A_816] {strides = array<i32>} : memref<1024xi32, #tpu.memory_space<vmem>>, vector<16xi32>,
    %get3A_818 = arith.constant 864 : index
    %get3A_819 = tpu.vector_load %arg8[%get3A_818] {strides = array<i32>} : memref<1024xi32, #tpu.memory_space<vmem>>, vector<16xi32>,
    %gather3A_820 = tpu.vector_load_idx %arg11[%add3A_815, %get3A_817] : memref<64x1000xf32, #tpu.memory_space<vmem>>[vector<16xi32>, vector<16xi32>], vector<16xf32>,
    %gather3A_821 = tpu.vector_load_idx %arg10[%get3A_819] : memref<1000xf32, #tpu.memory_space<vmem>>[vector<16xi32>], vector<16xf32>,
    %add3A_822 = arith.addf %sub3A_811, %gather3A_821 : vector<16xf32>
    %sub3A_823 = arith.subf %add3A_822, %gather3A_820 : vector<16xf32>
    %iota3A_824 = tpu.iota {dimensions = array<i32: 0>} : vector<16xi32>
    %add3A_825 = arith.constant 48 : i32
    %add3A_826 = vector.broadcast %add3A_825 : i32 to vector<16xi32>
    %add3A_827 = arith.addi %iota3A_824, %add3A_826 : vector<16xi32>
    %get3A_828 = arith.constant 880 : index
    %get3A_829 = tpu.vector_load %arg9[%get3A_828] {strides = array<i32>} : memref<1024xi32, #tpu.memory_space<vmem>>, vector<16xi32>,
    %get3A_830 = arith.constant 880 : index
    %get3A_831 = tpu.vector_load %arg8[%get3A_830] {strides = array<i32>} : memref<1024xi32, #tpu.memory_space<vmem>>, vector<16xi32>,
    %gather3A_832 = tpu.vector_load_idx %arg11[%add3A_827, %get3A_829] : memref<64x1000xf32, #tpu.memory_space<vmem>>[vector<16xi32>, vector<16xi32>], vector<16xf32>,
    %gather3A_833 = tpu.vector_load_idx %arg10[%get3A_831] : memref<1000xf32, #tpu.memory_space<vmem>>[vector<16xi32>], vector<16xf32>,
    %add3A_834 = arith.addf %sub3A_823, %gather3A_833 : vector<16xf32>
    %sub3A_835 = arith.subf %add3A_834, %gather3A_832 : vector<16xf32>
    %add3A_836 = arith.constant 832 : i32
    %add3A_837 = arith.addi %mul3A_2, %add3A_836 : i32
    "tpu.region"() ({
      %run_scoped3A = tpu.sem_alloc : memref<!tpu.dma_semaphore, #tpu.memory_space<semaphore_mem>>
      %dma_start3A_959 = arith.constant 0 : i32
      %dma_start3A_960 = tpu.memref_slice %arg6[%add3A_837, %dma_start3A_959] : memref<32768x1000xf32, #tpu.memory_space<hbm>> -> memref<64x1000xf32, #tpu.memory_space<hbm>>
      %dma_start3A_961 = arith.constant 0 : i32
      %dma_start3A_962 = tpu.memref_slice %arg6[%add3A_837, %dma_start3A_961] : memref<32768x1000xf32, #tpu.memory_space<hbm>> -> memref<64x1000xf32, #tpu.memory_space<hbm>>
      tpu.enqueue_dma source(%arg11 : memref<64x1000xf32, #tpu.memory_space<vmem>>) target(%dma_start3A_962 : memref<64x1000xf32, #tpu.memory_space<hbm>>) target_semaphore(%run_scoped3A : memref<!tpu.dma_semaphore, #tpu.memory_space<semaphore_mem>>)
      %dma_wait3A_963 = arith.constant 0 : i32
      %dma_wait3A_964 = tpu.memref_slice %arg6[%add3A_837, %dma_wait3A_963] : memref<32768x1000xf32, #tpu.memory_space<hbm>> -> memref<64x1000xf32, #tpu.memory_space<hbm>>
      %dma_wait3A_965 = arith.constant 0 : i32
      %dma_wait3A_966 = tpu.memref_slice %arg6[%add3A_837, %dma_wait3A_965] : memref<32768x1000xf32, #tpu.memory_space<hbm>> -> memref<64x1000xf32, #tpu.memory_space<hbm>>
      tpu.wait_dma2 semaphore(%run_scoped3A : memref<!tpu.dma_semaphore, #tpu.memory_space<semaphore_mem>>) src(%arg11 : memref<64x1000xf32, #tpu.memory_space<vmem>>) dst(%dma_wait3A_966 : memref<64x1000xf32, #tpu.memory_space<hbm>>)
      tpu.yield
    }) : () -> ()
    %dma_start3A_838 = arith.constant 896 : i32
    %dma_start3A_839 = tpu.memref_slice %arg8[%dma_start3A_838] : memref<1024xi32, #tpu.memory_space<vmem>> -> memref<64xi32, #tpu.memory_space<vmem>>
    %dma_start3A_840 = arith.constant 0 : i32
    %dma_start3A_841 = arith.constant 0 : i32
    %dma_start3A_842 = tpu.memref_slice %arg2[%dma_start3A_840, %dma_start3A_841] : memref<1000x1000xf32, #tpu.memory_space<hbm>> -> memref<1000x1000xf32, #tpu.memory_space<hbm>>
    tpu.enqueue_indirect_dma source(%dma_start3A_842 : memref<1000x1000xf32, #tpu.memory_space<hbm>>) target(%arg11 : memref<64x1000xf32, #tpu.memory_space<vmem>>) offsets(%dma_start3A_839 : memref<64xi32, #tpu.memory_space<vmem>>) semaphore(%arg13 : memref<!tpu.dma_semaphore, #tpu.memory_space<semaphore_mem>>)
    %dma_wait3A_843 = arith.constant 896 : i32
    %dma_wait3A_844 = tpu.memref_slice %arg8[%dma_wait3A_843] : memref<1024xi32, #tpu.memory_space<vmem>> -> memref<64xi32, #tpu.memory_space<vmem>>
    %dma_wait3A_845 = arith.constant 0 : i32
    %dma_wait3A_846 = arith.constant 0 : i32
    %dma_wait3A_847 = tpu.memref_slice %arg2[%dma_wait3A_845, %dma_wait3A_846] : memref<1000x1000xf32, #tpu.memory_space<hbm>> -> memref<1000x1000xf32, #tpu.memory_space<hbm>>
    tpu.wait_indirect_dma semaphore(%arg13 : memref<!tpu.dma_semaphore, #tpu.memory_space<semaphore_mem>>) src(%dma_wait3A_847 : memref<1000x1000xf32, #tpu.memory_space<hbm>>) dst(%arg11 : memref<64x1000xf32, #tpu.memory_space<vmem>>)
    %iota3A_848 = tpu.iota {dimensions = array<i32: 0>} : vector<16xi32>
    %add3A_849 = arith.constant 0 : i32
    %add3A_850 = vector.broadcast %add3A_849 : i32 to vector<16xi32>
    %add3A_851 = arith.addi %iota3A_848, %add3A_850 : vector<16xi32>
    %get3A_852 = arith.constant 896 : index
    %get3A_853 = tpu.vector_load %arg9[%get3A_852] {strides = array<i32>} : memref<1024xi32, #tpu.memory_space<vmem>>, vector<16xi32>,
    %get3A_854 = arith.constant 896 : index
    %get3A_855 = tpu.vector_load %arg8[%get3A_854] {strides = array<i32>} : memref<1024xi32, #tpu.memory_space<vmem>>, vector<16xi32>,
    %gather3A_856 = tpu.vector_load_idx %arg11[%add3A_851, %get3A_853] : memref<64x1000xf32, #tpu.memory_space<vmem>>[vector<16xi32>, vector<16xi32>], vector<16xf32>,
    %gather3A_857 = tpu.vector_load_idx %arg10[%get3A_855] : memref<1000xf32, #tpu.memory_space<vmem>>[vector<16xi32>], vector<16xf32>,
    %add3A_858 = arith.addf %sub3A_835, %gather3A_857 : vector<16xf32>
    %sub3A_859 = arith.subf %add3A_858, %gather3A_856 : vector<16xf32>
    %iota3A_860 = tpu.iota {dimensions = array<i32: 0>} : vector<16xi32>
    %add3A_861 = arith.constant 16 : i32
    %add3A_862 = vector.broadcast %add3A_861 : i32 to vector<16xi32>
    %add3A_863 = arith.addi %iota3A_860, %add3A_862 : vector<16xi32>
    %get3A_864 = arith.constant 912 : index
    %get3A_865 = tpu.vector_load %arg9[%get3A_864] {strides = array<i32>} : memref<1024xi32, #tpu.memory_space<vmem>>, vector<16xi32>,
    %get3A_866 = arith.constant 912 : index
    %get3A_867 = tpu.vector_load %arg8[%get3A_866] {strides = array<i32>} : memref<1024xi32, #tpu.memory_space<vmem>>, vector<16xi32>,
    %gather3A_868 = tpu.vector_load_idx %arg11[%add3A_863, %get3A_865] : memref<64x1000xf32, #tpu.memory_space<vmem>>[vector<16xi32>, vector<16xi32>], vector<16xf32>,
    %gather3A_869 = tpu.vector_load_idx %arg10[%get3A_867] : memref<1000xf32, #tpu.memory_space<vmem>>[vector<16xi32>], vector<16xf32>,
    %add3A_870 = arith.addf %sub3A_859, %gather3A_869 : vector<16xf32>
    %sub3A_871 = arith.subf %add3A_870, %gather3A_868 : vector<16xf32>
    %iota3A_872 = tpu.iota {dimensions = array<i32: 0>} : vector<16xi32>
    %add3A_873 = arith.constant 32 : i32
    %add3A_874 = vector.broadcast %add3A_873 : i32 to vector<16xi32>
    %add3A_875 = arith.addi %iota3A_872, %add3A_874 : vector<16xi32>
    %get3A_876 = arith.constant 928 : index
    %get3A_877 = tpu.vector_load %arg9[%get3A_876] {strides = array<i32>} : memref<1024xi32, #tpu.memory_space<vmem>>, vector<16xi32>,
    %get3A_878 = arith.constant 928 : index
    %get3A_879 = tpu.vector_load %arg8[%get3A_878] {strides = array<i32>} : memref<1024xi32, #tpu.memory_space<vmem>>, vector<16xi32>,
    %gather3A_880 = tpu.vector_load_idx %arg11[%add3A_875, %get3A_877] : memref<64x1000xf32, #tpu.memory_space<vmem>>[vector<16xi32>, vector<16xi32>], vector<16xf32>,
    %gather3A_881 = tpu.vector_load_idx %arg10[%get3A_879] : memref<1000xf32, #tpu.memory_space<vmem>>[vector<16xi32>], vector<16xf32>,
    %add3A_882 = arith.addf %sub3A_871, %gather3A_881 : vector<16xf32>
    %sub3A_883 = arith.subf %add3A_882, %gather3A_880 : vector<16xf32>
    %iota3A_884 = tpu.iota {dimensions = array<i32: 0>} : vector<16xi32>
    %add3A_885 = arith.constant 48 : i32
    %add3A_886 = vector.broadcast %add3A_885 : i32 to vector<16xi32>
    %add3A_887 = arith.addi %iota3A_884, %add3A_886 : vector<16xi32>
    %get3A_888 = arith.constant 944 : index
    %get3A_889 = tpu.vector_load %arg9[%get3A_888] {strides = array<i32>} : memref<1024xi32, #tpu.memory_space<vmem>>, vector<16xi32>,
    %get3A_890 = arith.constant 944 : index
    %get3A_891 = tpu.vector_load %arg8[%get3A_890] {strides = array<i32>} : memref<1024xi32, #tpu.memory_space<vmem>>, vector<16xi32>,
    %gather3A_892 = tpu.vector_load_idx %arg11[%add3A_887, %get3A_889] : memref<64x1000xf32, #tpu.memory_space<vmem>>[vector<16xi32>, vector<16xi32>], vector<16xf32>,
    %gather3A_893 = tpu.vector_load_idx %arg10[%get3A_891] : memref<1000xf32, #tpu.memory_space<vmem>>[vector<16xi32>], vector<16xf32>,
    %add3A_894 = arith.addf %sub3A_883, %gather3A_893 : vector<16xf32>
    %sub3A_895 = arith.subf %add3A_894, %gather3A_892 : vector<16xf32>
    %add3A_896 = arith.constant 896 : i32
    %add3A_897 = arith.addi %mul3A_2, %add3A_896 : i32
    "tpu.region"() ({
      %run_scoped3A = tpu.sem_alloc : memref<!tpu.dma_semaphore, #tpu.memory_space<semaphore_mem>>
      %dma_start3A_959 = arith.constant 0 : i32
      %dma_start3A_960 = tpu.memref_slice %arg6[%add3A_897, %dma_start3A_959] : memref<32768x1000xf32, #tpu.memory_space<hbm>> -> memref<64x1000xf32, #tpu.memory_space<hbm>>
      %dma_start3A_961 = arith.constant 0 : i32
      %dma_start3A_962 = tpu.memref_slice %arg6[%add3A_897, %dma_start3A_961] : memref<32768x1000xf32, #tpu.memory_space<hbm>> -> memref<64x1000xf32, #tpu.memory_space<hbm>>
      tpu.enqueue_dma source(%arg11 : memref<64x1000xf32, #tpu.memory_space<vmem>>) target(%dma_start3A_962 : memref<64x1000xf32, #tpu.memory_space<hbm>>) target_semaphore(%run_scoped3A : memref<!tpu.dma_semaphore, #tpu.memory_space<semaphore_mem>>)
      %dma_wait3A_963 = arith.constant 0 : i32
      %dma_wait3A_964 = tpu.memref_slice %arg6[%add3A_897, %dma_wait3A_963] : memref<32768x1000xf32, #tpu.memory_space<hbm>> -> memref<64x1000xf32, #tpu.memory_space<hbm>>
      %dma_wait3A_965 = arith.constant 0 : i32
      %dma_wait3A_966 = tpu.memref_slice %arg6[%add3A_897, %dma_wait3A_965] : memref<32768x1000xf32, #tpu.memory_space<hbm>> -> memref<64x1000xf32, #tpu.memory_space<hbm>>
      tpu.wait_dma2 semaphore(%run_scoped3A : memref<!tpu.dma_semaphore, #tpu.memory_space<semaphore_mem>>) src(%arg11 : memref<64x1000xf32, #tpu.memory_space<vmem>>) dst(%dma_wait3A_966 : memref<64x1000xf32, #tpu.memory_space<hbm>>)
      tpu.yield
    }) : () -> ()
    %dma_start3A_898 = arith.constant 960 : i32
    %dma_start3A_899 = tpu.memref_slice %arg8[%dma_start3A_898] : memref<1024xi32, #tpu.memory_space<vmem>> -> memref<64xi32, #tpu.memory_space<vmem>>
    %dma_start3A_900 = arith.constant 0 : i32
    %dma_start3A_901 = arith.constant 0 : i32
    %dma_start3A_902 = tpu.memref_slice %arg2[%dma_start3A_900, %dma_start3A_901] : memref<1000x1000xf32, #tpu.memory_space<hbm>> -> memref<1000x1000xf32, #tpu.memory_space<hbm>>
    tpu.enqueue_indirect_dma source(%dma_start3A_902 : memref<1000x1000xf32, #tpu.memory_space<hbm>>) target(%arg11 : memref<64x1000xf32, #tpu.memory_space<vmem>>) offsets(%dma_start3A_899 : memref<64xi32, #tpu.memory_space<vmem>>) semaphore(%arg13 : memref<!tpu.dma_semaphore, #tpu.memory_space<semaphore_mem>>)
    %dma_wait3A_903 = arith.constant 960 : i32
    %dma_wait3A_904 = tpu.memref_slice %arg8[%dma_wait3A_903] : memref<1024xi32, #tpu.memory_space<vmem>> -> memref<64xi32, #tpu.memory_space<vmem>>
    %dma_wait3A_905 = arith.constant 0 : i32
    %dma_wait3A_906 = arith.constant 0 : i32
    %dma_wait3A_907 = tpu.memref_slice %arg2[%dma_wait3A_905, %dma_wait3A_906] : memref<1000x1000xf32, #tpu.memory_space<hbm>> -> memref<1000x1000xf32, #tpu.memory_space<hbm>>
    tpu.wait_indirect_dma semaphore(%arg13 : memref<!tpu.dma_semaphore, #tpu.memory_space<semaphore_mem>>) src(%dma_wait3A_907 : memref<1000x1000xf32, #tpu.memory_space<hbm>>) dst(%arg11 : memref<64x1000xf32, #tpu.memory_space<vmem>>)
    %iota3A_908 = tpu.iota {dimensions = array<i32: 0>} : vector<16xi32>
    %add3A_909 = arith.constant 0 : i32
    %add3A_910 = vector.broadcast %add3A_909 : i32 to vector<16xi32>
    %add3A_911 = arith.addi %iota3A_908, %add3A_910 : vector<16xi32>
    %get3A_912 = arith.constant 960 : index
    %get3A_913 = tpu.vector_load %arg9[%get3A_912] {strides = array<i32>} : memref<1024xi32, #tpu.memory_space<vmem>>, vector<16xi32>,
    %get3A_914 = arith.constant 960 : index
    %get3A_915 = tpu.vector_load %arg8[%get3A_914] {strides = array<i32>} : memref<1024xi32, #tpu.memory_space<vmem>>, vector<16xi32>,
    %gather3A_916 = tpu.vector_load_idx %arg11[%add3A_911, %get3A_913] : memref<64x1000xf32, #tpu.memory_space<vmem>>[vector<16xi32>, vector<16xi32>], vector<16xf32>,
    %gather3A_917 = tpu.vector_load_idx %arg10[%get3A_915] : memref<1000xf32, #tpu.memory_space<vmem>>[vector<16xi32>], vector<16xf32>,
    %add3A_918 = arith.addf %sub3A_895, %gather3A_917 : vector<16xf32>
    %sub3A_919 = arith.subf %add3A_918, %gather3A_916 : vector<16xf32>
    %iota3A_920 = tpu.iota {dimensions = array<i32: 0>} : vector<16xi32>
    %add3A_921 = arith.constant 16 : i32
    %add3A_922 = vector.broadcast %add3A_921 : i32 to vector<16xi32>
    %add3A_923 = arith.addi %iota3A_920, %add3A_922 : vector<16xi32>
    %get3A_924 = arith.constant 976 : index
    %get3A_925 = tpu.vector_load %arg9[%get3A_924] {strides = array<i32>} : memref<1024xi32, #tpu.memory_space<vmem>>, vector<16xi32>,
    %get3A_926 = arith.constant 976 : index
    %get3A_927 = tpu.vector_load %arg8[%get3A_926] {strides = array<i32>} : memref<1024xi32, #tpu.memory_space<vmem>>, vector<16xi32>,
    %gather3A_928 = tpu.vector_load_idx %arg11[%add3A_923, %get3A_925] : memref<64x1000xf32, #tpu.memory_space<vmem>>[vector<16xi32>, vector<16xi32>], vector<16xf32>,
    %gather3A_929 = tpu.vector_load_idx %arg10[%get3A_927] : memref<1000xf32, #tpu.memory_space<vmem>>[vector<16xi32>], vector<16xf32>,
    %add3A_930 = arith.addf %sub3A_919, %gather3A_929 : vector<16xf32>
    %sub3A_931 = arith.subf %add3A_930, %gather3A_928 : vector<16xf32>
    %iota3A_932 = tpu.iota {dimensions = array<i32: 0>} : vector<16xi32>
    %add3A_933 = arith.constant 32 : i32
    %add3A_934 = vector.broadcast %add3A_933 : i32 to vector<16xi32>
    %add3A_935 = arith.addi %iota3A_932, %add3A_934 : vector<16xi32>
    %get3A_936 = arith.constant 992 : index
    %get3A_937 = tpu.vector_load %arg9[%get3A_936] {strides = array<i32>} : memref<1024xi32, #tpu.memory_space<vmem>>, vector<16xi32>,
    %get3A_938 = arith.constant 992 : index
    %get3A_939 = tpu.vector_load %arg8[%get3A_938] {strides = array<i32>} : memref<1024xi32, #tpu.memory_space<vmem>>, vector<16xi32>,
    %gather3A_940 = tpu.vector_load_idx %arg11[%add3A_935, %get3A_937] : memref<64x1000xf32, #tpu.memory_space<vmem>>[vector<16xi32>, vector<16xi32>], vector<16xf32>,
    %gather3A_941 = tpu.vector_load_idx %arg10[%get3A_939] : memref<1000xf32, #tpu.memory_space<vmem>>[vector<16xi32>], vector<16xf32>,
    %add3A_942 = arith.addf %sub3A_931, %gather3A_941 : vector<16xf32>
    %sub3A_943 = arith.subf %add3A_942, %gather3A_940 : vector<16xf32>
    %iota3A_944 = tpu.iota {dimensions = array<i32: 0>} : vector<16xi32>
    %add3A_945 = arith.constant 48 : i32
    %add3A_946 = vector.broadcast %add3A_945 : i32 to vector<16xi32>
    %add3A_947 = arith.addi %iota3A_944, %add3A_946 : vector<16xi32>
    %get3A_948 = arith.constant 1008 : index
    %get3A_949 = tpu.vector_load %arg9[%get3A_948] {strides = array<i32>} : memref<1024xi32, #tpu.memory_space<vmem>>, vector<16xi32>,
    %get3A_950 = arith.constant 1008 : index
    %get3A_951 = tpu.vector_load %arg8[%get3A_950] {strides = array<i32>} : memref<1024xi32, #tpu.memory_space<vmem>>, vector<16xi32>,
    %gather3A_952 = tpu.vector_load_idx %arg11[%add3A_947, %get3A_949] : memref<64x1000xf32, #tpu.memory_space<vmem>>[vector<16xi32>, vector<16xi32>], vector<16xf32>,
    %gather3A_953 = tpu.vector_load_idx %arg10[%get3A_951] : memref<1000xf32, #tpu.memory_space<vmem>>[vector<16xi32>], vector<16xf32>,
    %add3A_954 = arith.addf %sub3A_943, %gather3A_953 : vector<16xf32>
    %sub3A_955 = arith.subf %add3A_954, %gather3A_952 : vector<16xf32>
    %add3A_956 = arith.constant 960 : i32
    %add3A_957 = arith.addi %mul3A_2, %add3A_956 : i32
    "tpu.region"() ({
      %run_scoped3A = tpu.sem_alloc : memref<!tpu.dma_semaphore, #tpu.memory_space<semaphore_mem>>
      %dma_start3A_959 = arith.constant 0 : i32
      %dma_start3A_960 = tpu.memref_slice %arg6[%add3A_957, %dma_start3A_959] : memref<32768x1000xf32, #tpu.memory_space<hbm>> -> memref<64x1000xf32, #tpu.memory_space<hbm>>
      %dma_start3A_961 = arith.constant 0 : i32
      %dma_start3A_962 = tpu.memref_slice %arg6[%add3A_957, %dma_start3A_961] : memref<32768x1000xf32, #tpu.memory_space<hbm>> -> memref<64x1000xf32, #tpu.memory_space<hbm>>
      tpu.enqueue_dma source(%arg11 : memref<64x1000xf32, #tpu.memory_space<vmem>>) target(%dma_start3A_962 : memref<64x1000xf32, #tpu.memory_space<hbm>>) target_semaphore(%run_scoped3A : memref<!tpu.dma_semaphore, #tpu.memory_space<semaphore_mem>>)
      %dma_wait3A_963 = arith.constant 0 : i32
      %dma_wait3A_964 = tpu.memref_slice %arg6[%add3A_957, %dma_wait3A_963] : memref<32768x1000xf32, #tpu.memory_space<hbm>> -> memref<64x1000xf32, #tpu.memory_space<hbm>>
      %dma_wait3A_965 = arith.constant 0 : i32
      %dma_wait3A_966 = tpu.memref_slice %arg6[%add3A_957, %dma_wait3A_965] : memref<32768x1000xf32, #tpu.memory_space<hbm>> -> memref<64x1000xf32, #tpu.memory_space<hbm>>
      tpu.wait_dma2 semaphore(%run_scoped3A : memref<!tpu.dma_semaphore, #tpu.memory_space<semaphore_mem>>) src(%arg11 : memref<64x1000xf32, #tpu.memory_space<vmem>>) dst(%dma_wait3A_966 : memref<64x1000xf32, #tpu.memory_space<hbm>>)
      tpu.yield
    }) : () -> ()
    %swap3A = arith.constant 0 : index
    %swap3A_958 = tpu.vector_load %arg12[%swap3A] {strides = array<i32>} : memref<16xf32, #tpu.memory_space<vmem>>, vector<16xf32>,
    tpu.vector_store %arg12[%swap3A], %sub3A_955 {strides = array<i32>} : memref<16xf32, #tpu.memory_space<vmem>>, vector<16xf32>,
    "tpu.region"() ({
      %run_scoped3A = tpu.sem_alloc : memref<!tpu.dma_semaphore, #tpu.memory_space<semaphore_mem>>
      %dma_start3A_959 = arith.constant 0 : i32
      %dma_start3A_960 = tpu.memref_slice %arg7[%add3A, %dma_start3A_959] : memref<32x16xf32, #tpu.memory_space<hbm>> -> memref<1x16xf32, #tpu.memory_space<hbm>>
      %dma_start3A_961 = tpu.memref_squeeze %dma_start3A_960 : memref<1x16xf32, #tpu.memory_space<hbm>> -> memref<16xf32, #tpu.memory_space<hbm>>
      %dma_start3A_962 = arith.constant 0 : i32
      %dma_start3A_963 = tpu.memref_slice %arg7[%add3A, %dma_start3A_962] : memref<32x16xf32, #tpu.memory_space<hbm>> -> memref<1x16xf32, #tpu.memory_space<hbm>>
      %dma_start3A_964 = tpu.memref_squeeze %dma_start3A_963 : memref<1x16xf32, #tpu.memory_space<hbm>> -> memref<16xf32, #tpu.memory_space<hbm>>
      tpu.enqueue_dma source(%arg12 : memref<16xf32, #tpu.memory_space<vmem>>) target(%dma_start3A_964 : memref<16xf32, #tpu.memory_space<hbm>>) target_semaphore(%run_scoped3A : memref<!tpu.dma_semaphore, #tpu.memory_space<semaphore_mem>>)
      %dma_wait3A_965 = arith.constant 0 : i32
      %dma_wait3A_966 = tpu.memref_slice %arg7[%add3A, %dma_wait3A_965] : memref<32x16xf32, #tpu.memory_space<hbm>> -> memref<1x16xf32, #tpu.memory_space<hbm>>
      %dma_wait3A_967 = tpu.memref_squeeze %dma_wait3A_966 : memref<1x16xf32, #tpu.memory_space<hbm>> -> memref<16xf32, #tpu.memory_space<hbm>>
      %dma_wait3A_968 = arith.constant 0 : i32
      %dma_wait3A_969 = tpu.memref_slice %arg7[%add3A, %dma_wait3A_968] : memref<32x16xf32, #tpu.memory_space<hbm>> -> memref<1x16xf32, #tpu.memory_space<hbm>>
      %dma_wait3A_970 = tpu.memref_squeeze %dma_wait3A_969 : memref<1x16xf32, #tpu.memory_space<hbm>> -> memref<16xf32, #tpu.memory_space<hbm>>
      tpu.wait_dma2 semaphore(%run_scoped3A : memref<!tpu.dma_semaphore, #tpu.memory_space<semaphore_mem>>) src(%arg12 : memref<16xf32, #tpu.memory_space<vmem>>) dst(%dma_wait3A_970 : memref<16xf32, #tpu.memory_space<hbm>>)
      tpu.yield
    }) : () -> ()
    return
  }
}

module attributes {stable_mosaic.version = 14 : i64} {
  func.func @_rowlse_kernel(%arg0: memref<1000x1000xf32, #tpu.memory_space<vmem>>, %arg1: memref<1000xf32, #tpu.memory_space<vmem>>) attributes {dimension_semantics = [], scalar_prefetch = 0 : i64, scratch_operands = 0 : i64, tpu.core_type = #tpu.core_type<tc>} {
    %get3A = arith.constant 0 : index
    %get3A_0 = arith.constant 0 : index
    %get3A_1 = vector.load %arg0[%get3A, %get3A_0] : memref<1000x1000xf32, #tpu.memory_space<vmem>>, vector<1000x1000xf32>
    %reduce_max3A = arith.constant dense<0xFF800000> : vector<1000xf32>
    %reduce_max3A_2 = vector.multi_reduction <maximumf>, %get3A_1, %reduce_max3A [1] : vector<1000x1000xf32> to vector<1000xf32>
    %broadcast_in_dim3A = vector.shape_cast %reduce_max3A_2 : vector<1000xf32> to vector<1000x1xf32>
    %sub3A = vector.broadcast %broadcast_in_dim3A : vector<1000x1xf32> to vector<1000x1000xf32>
    %sub3A_3 = arith.subf %get3A_1, %sub3A : vector<1000x1000xf32>
    %exp3A = math.exp %sub3A_3 : vector<1000x1000xf32>
    %reduce_sum3A = arith.constant dense<0.000000e+00> : vector<1000xf32>
    %reduce_sum3A_4 = vector.multi_reduction <add>, %exp3A, %reduce_sum3A [1] : vector<1000x1000xf32> to vector<1000xf32>
    %log3A = math.log %reduce_sum3A_4 : vector<1000xf32>
    %add3A = arith.addf %log3A, %reduce_max3A_2 : vector<1000xf32>
    %swap3A = arith.constant 0 : index
    %swap3A_5 = vector.load %arg1[%swap3A] : memref<1000xf32, #tpu.memory_space<vmem>>, vector<1000xf32>
    tpu.vector_store %arg1[%swap3A], %add3A {strides = array<i32>} : memref<1000xf32, #tpu.memory_space<vmem>>, vector<1000xf32>,
    return
  }
}

</mosaic_0001>

<sc_bundles>
// kernel: kernel.4.cloned.1.call-start
scs
__scs_entry_jumppad:
0x0: {  	(pc) =	sbr.rel $0x88, $3  }
0x1: {  	(tag) =	ssettag $0x0;
	lr =	simm.s32 $0x1  }
0x2: {  	[smem:$0x3F9E] =	sst lr;
	_ =	strace $0xD0000000  }
0x3: {  	_ = 	snop  }
0x4: {  	_ = 	snop  }
0x5: {  	_ = 	snop  }
0x6: {  	_ = 	snop  }
0x7: {  	_ = 	snop  }
__scs_overlays_trampoline_lowered:
0x8: {  	[smem:$0x3FAD] =	sst s0  }
0x9: {  	[smem:$0x3FAE] =	sst s1  }
0xa: {  	[smem:$0x3FAF] =	sst s2  }
0xb: {  	[smem:$0x3FB0] =	sst s3  }
0xc: {  	[smem:$0x3FB1] =	sst s4  }
0xd: {  	[smem:$0x3FB2] =	sst s5  }
0xe: {  	[smem:$0x3FB3] =	sst s6  }
0xf: {  	[smem:$0x3FB4] =	sst s7  }
0x10: {  	[smem:$0x3FB5] =	sst s8  }
0x11: {  	[smem:$0x3FB6] =	sst s9;
	s0 =	simm.s32 @!p0 $0x0  }
0x12: {  	s1 =	sld [smem:$0x3F9C];
	s0 =	simm.s32 @p0 $0x1  }
0x13: {  	[smem:$0x3FB7] =	sst s0;
	s0 =	simm.s32 @!p1 $0x0  }
0x14: {  	s2 =	sld [smem:$0x3F9B];
	s0 =	simm.s32 @p1 $0x1  }
0x15: {  	[smem:$0x3FB8] =	sst s0;
	s0 =	simm.s32 @!p2 $0x0  }
0x16: {  	s3 =	sld [smem:$0x3FDB];
	s0 =	simm.s32 @p2 $0x1  }
0x17: {  	s4 =	simm.s32 $0x1BF5;
	[smem:$0x3FBA] =	sst s0  }
0x18: {  	s0 =	sld [smem:$0x3F9D];
	_ =	swait.ge [sflag:s4], $0x0  }
0x19: {  	s7 =	sld [smem:$0x3F9E]  }
0x1a: {  	s8 =	sadd.s32 $0xFFFFE003, lr  }
0x1b: {  	s9 =	sadd.s32 $0xFFFFFEF7, lr;
	s5 =	simm.s32 $0xFFFFFFFF;
	p2 =	slt.u32 s8, $0xFFFFF086  }
0x1c: {  	p1 =	slt.u32 s9, $0xF7A;
	s5 =	simm.s32 @!p2 $0x0  }
0x1d: {  	s5 =	simm.s32 @p1 $0x1;
	p0 =	seq.s32 s7, s2  }
0x1e: {  	s7 =	smul.u32 @!p0 $0xF7A, s2;
	p2 =	seq.s32 @!p0 s5, $0x0  }
0x1f: {  	s9 =	smul.u32 $0xF7A, s1;
	s8 =	simm.s32 @!p0 $0x1BF5;
	p2 =	por !p2, p0  }
0x20: {  	[sflag:s8] =	ssyncset.s32 @!p0 $0xFFFFF086;
	s6 =	sadd.s32 @!p0 s3, s7;
	s7 =	simm.s32 @!p0 $0x108  }
0x21: {  	s3 =	sadd.s32 s3, s9;
	s6 =	sadd.s32 @!p0 $0x88, s6;
	s7 =	simm.s32 @p2 $0x1082  }
0x22: {  	[simem:s7], [sflag:s8] =	dma.local @!p0 [hbm:s6], $0xF7A  }
0x23: {  	s9 =	sor.u32 $0xD0000000, s2;
	s6 =	simm.s32 $0x108;
	_ =	swait.ge @!p0 [sflag:s8], $0x0  }
0x24: {  	s3 =	sadd.s32 $0x88, s3;
	s6 =	simm.s32 @!p1 $0x1082;
	[sflag:s4] =	ssyncset.s32 $0xFFFFF086  }
0x25: {  	[simem:s6], [sflag:s4] =	dma.local [hbm:s3], $0xF7A  }
0x26: {  	[smem:$0x3F9E] =	sst s1;
	(tag) =	ssettag s2;
	_ =	strace s9  }
0x27: {  	s1 =	sld [smem:$0x3FAE]  }
0x28: {  	s2 =	sld [smem:$0x3FAF]  }
0x29: {  	s4 =	sld [smem:$0x3FB1]  }
0x2a: {  	p0 =	seq.s32 s5, $0x0;
	s5 =	sld [smem:$0x3FB2]  }
0x2b: {  	s6 =	sld [smem:$0x3FB3]  }
0x2c: {  	s7 =	sld [smem:$0x3FB4]  }
0x2d: {  	s3 =	simm.s32 $0x108;
	s8 =	sld [smem:$0x3FB5]  }
0x2e: {  	s3 =	simm.s32 @!p0 $0x1082;
	s9 =	sld [smem:$0x3FB6]  }
0x2f: {  	lr =	sadd.s32 s0, s3;
	s0 =	sld [smem:$0x3FAD]  }
0x30: {  	s3 =	sld [smem:$0x3FB0]  }
0x31: {  	[smem:$0x3FB9] =	sst s10  }
0x32: {  	s10 =	sld [smem:$0x3FB7];
	_ =	sdelay $0x3  }
0x33: {  	p0 =	seq.s32 s10, $0x1;
	s10 =	sld [smem:$0x3FB9];
	_ =	sdelay $0x3  }
0x34: {  	[smem:$0x3FB9] =	sst s10  }
0x35: {  	s10 =	sld [smem:$0x3FB8];
	_ =	sdelay $0x3  }
0x36: {  	p1 =	seq.s32 s10, $0x1;
	s10 =	sld [smem:$0x3FB9];
	_ =	sdelay $0x3  }
0x37: {  	[smem:$0x3FB9] =	sst s10  }
0x38: {  	s10 =	sld [smem:$0x3FBA]  }
0x39: {  	_ = 	snop;
	(pc) =	sbr.ind lr, $3  }
0x3a: {  	_ = 	snop  }
0x3b: {  	_ = 	snop  }
0x3c: {  	p2 =	seq.s32 s10, $0x1;
	s10 =	sld [smem:$0x3FB9]  }
0x3d: {  	_ =	shalt  }
0x3e: {  	_ =	shalt  }
0x3f: {  	_ =	shalt  }
0x40: {  	_ =	shalt  }
0x41: {  	_ =	shalt  }
0x42: {  	_ =	shalt  }
0x43: {  	_ =	shalt  }
0x44: {  	_ =	shalt  }
0x45: {  	_ =	shalt  }
0x46: {  	_ =	shalt  }
0x47: {  	_ =	shalt  }
0x48: {  	_ =	shalt  }
0x49: {  	_ =	shalt  }
0x4a: {  	_ =	shalt  }
0x4b: {  	_ =	shalt  }
0x4c: {  	_ =	shalt  }
0x4d: {  	_ =	shalt  }
0x4e: {  	_ =	shalt  }
0x4f: {  	_ =	shalt  }
0x50: {  	_ =	shalt  }
0x51: {  	_ =	shalt  }
0x52: {  	_ =	shalt  }
0x53: {  	_ =	shalt  }
0x54: {  	_ =	shalt  }
0x55: {  	_ =	shalt  }
0x56: {  	_ =	shalt  }
0x57: {  	_ =	shalt  }
0x58: {  	_ =	shalt  }
0x59: {  	_ =	shalt  }
0x5a: {  	_ =	shalt  }
0x5b: {  	_ =	shalt  }
0x5c: {  	_ =	shalt  }
0x5d: {  	_ =	shalt  }
0x5e: {  	_ =	shalt  }
0x5f: {  	_ =	shalt  }
0x60: {  	_ =	shalt  }
0x61: {  	_ =	shalt  }
0x62: {  	_ =	shalt  }
0x63: {  	_ =	shalt  }
0x64: {  	_ =	shalt  }
0x65: {  	_ =	shalt  }
0x66: {  	_ =	shalt  }
0x67: {  	_ =	shalt  }
0x68: {  	_ =	shalt  }
0x69: {  	_ =	shalt  }
0x6a: {  	_ =	shalt  }
0x6b: {  	_ =	shalt  }
0x6c: {  	_ =	shalt  }
0x6d: {  	_ =	shalt  }
0x6e: {  	_ =	shalt  }
0x6f: {  	_ =	shalt  }
0x70: {  	_ =	shalt  }
0x71: {  	_ =	shalt  }
0x72: {  	_ =	shalt  }
0x73: {  	_ =	shalt  }
0x74: {  	_ =	shalt  }
0x75: {  	_ =	shalt  }
0x76: {  	_ =	shalt  }
0x77: {  	_ =	shalt  }
0x78: {  	_ =	shalt  }
0x79: {  	_ =	shalt  }
0x7a: {  	_ =	shalt  }
0x7b: {  	_ =	shalt  }
0x7c: {  	_ =	shalt  }
0x7d: {  	_ =	shalt  }
0x7e: {  	_ =	shalt  }
0x7f: {  	_ =	shalt  }
0x80: {  	_ =	shalt  }
0x81: {  	_ =	shalt  }
0x82: {  	_ =	shalt  }
0x83: {  	_ =	shalt  }
0x84: {  	_ =	shalt  }
0x85: {  	_ =	shalt  }
0x86: {  	_ =	shalt  }
0x87: {  	_ =	shalt  }
.Lfunc_end0:
.L_simem_size_0:
called_computation.1_lowered:
.L_overlay_start_0:
0x88: {  	s2 =	sld [smem:$0x3FD9]  }
0x89: {  	s3 =	sld [smem:$0x3FFE];
	_ =	sdelay $0x1  }
0x8a: {  	s1 =	srdreg.scid  }
0x8b: {  	s0 =	sand.u32 $0x1, s1  }
0x8c: {  	s14 =	sshll.u32 s0, $0xA;
	s2 =	sadd.s32 s3, s2  }
0x8d: {  	s2 =	sadd.s32 s2, s14  }
0x8e: {  	[smem:$0x3FC5] =	sst s2  }
0x8f: {  	_ = 	snop  }
0x90: {  	s2 =	sld [smem:$0x3FD0];
	_ =	sdelay $0x2  }
0x91: {  	s15 =	simm.s32 $0xA;
	s4 =	simm.s32 $0x10  }
0x92: {  	[smem:s4], [sflag:s15] =	dma.local [hbm:s2], $0x1  }
0x93: {  	_ =	swait.eq [sflag:s15], $0x1  }
0x94: {  	[sflag:s15] =	ssyncset.done $0x0  }
0x95: {  	[sflag:s15] =	ssyncadd.s32 $0xFFFFFFFF  }
0x96: {  	s16 =	sld [smem:$0x10];
	(tm) =	ssettm $0x1  }
0x97: {  	s17 =	sld [smem:$0x3FFB];
	_ =	sdelay $0x3  }
0x98: {  	_ =	strace s17  }
0x99: {  	s3 =	sld [smem:$0x3FFC];
	_ =	sdelay $0x3  }
0x9a: {  	_ =	strace s3  }
0x9b: {  	s3 =	sld [smem:$0x3FFD];
	_ =	sdelay $0x3  }
0x9c: {  	_ =	strace s3  }
0x9d: {  	_ =	strace $0x8FFFFFFF  }
0x9e: {  	s18 =	sld [smem:$0x3FDB];
	_ =	sdelay $0x1  }
0x9f: {  	s19 =	simm.s32 $_scs_section_size  }
0xa0: {  	s5 =	simm.s32 $_size__tile_overlayer_lowered;
	s6 =	simm.s32 $_tile_overlayer_lowered  }
0xa1: {  	s22 =	simm.s32 $0x1BFF;
	s21 =	sshll.u32 s6, $0x1;
	s3 =	sadd.s32 s19, s18  }
0xa2: {  	s7 =	simm.s32 $0x0;
	s20 =	sshll.u32 s5, $0x1;
	s5 =	sadd.s32 s21, s3  }
0xa3: {  	[timem:s7], [sflag:s22] =	dma.local [hbm:s5], s20  }
0xa4: {  	_ =	swait.ge [sflag:s22], s20  }
0xa5: {  	s4 =	ssub.s32 $0x0, s20;
	[sflag:s22] =	ssyncset.done $0x0  }
0xa6: {  	[sflag:s22] =	ssyncadd.s32 s4;
	_ =	sdelay $0x1  }
0xa7: {  	s23 =	simm.s32 $0x1B8B  }
0xa8: {  	_ =	swait.ge [sflag:s23], $0x1  }
0xa9: {  	[sflag:s23] =	ssyncset.done $0x0  }
0xaa: {  	s25 =	simm.s32 $0x1B8E;
	s24 =	sld [smem:$0x3FFE];
	[sflag:s23] =	ssyncadd.s32 $0xFFFFFFFF  }
0xab: {  	s26 =	simm.s32 $execute0_lowered;
	[smem:$0x3FD2] =	sst s25  }
0xac: {  	s5 =	sshll.u32 s26, $0x1;
	_ =	strace $0x80000046;
	[dreg:$0x1] =	wrdreg $0xFFFFFFFF  }
0xad: {  	s28 =	simm.s32 $_size_execute0_lowered;
	s3 =	sadd.s32 s3, s5;
	[dreg:$0x0] =	wrdreg $0x0  }
0xae: {  	s5 =	sshll.u32 s28, $0x1;
	[dreg:$0x2] =	wrdreg s3  }
0xaf: {  	[dreg:$0x3] =	wrdreg s5  }
0xb0: {  	[dreg:$0x4] =	wrdreg $0xC0  }
0xb1: {  	_ =	task [dreg:s7], $0x5FFFF  }
0xb2: {  	[dreg:$0x1] =	wrdreg $0xFFFFFFFF  }
0xb3: {  	[dreg:$0x0] =	wrdreg $0x60  }
0xb4: {  	[dreg:$0x2] =	wrdreg s24  }
0xb5: {  	[dreg:$0x3] =	wrdreg s16  }
0xb6: {  	[dreg:$0x4] =	wrdreg $0x9  }
0xb7: {  	_ =	task.clear_ibuf [dreg:s7], $0x5FFFF;
	_ =	strace $0x90000046  }
0xb8: {  	s29 =	simm.s32 $0x9;
	_ =	strace $0x80000048  }
0xb9: {  	_ =	swait.ge [sflag:s29], $0x1  }
0xba: {  	[sflag:s29] =	ssyncadd.s32 $0xFFFFFFFF  }
0xbb: {  	_ =	strace $0x90000048  }
0xbc: {  	_ =	sfence  }
0xbd: {  	s30 =	sld [smem:$0x0];
	_ =	sdelay $0x2  }
0xbe: {  	s31 =	sshll.u32 s1, $0xD;
	s1 =	sshrl.u32 s1, $0x2  }
0xbf: {  	s3 =	sand.u32 $0x4000, s31;
	s1 =	sadd.s32 s1, s30  }
0xc0: {  	s0 =	sor.u32 s3, s0;
	s1 =	sshll.u32 s1, $0x11  }
0xc1: {  	s0 =	sor.u32 s1, s0  }
0xc2: {  	s0 =	sadd.s32 $0x8F2B, s0  }
0xc3: {  	[sflag:s0] =	ssyncadd.remote.s32 $0x1  }
0xc4: {  	_ =	sfence.sel $0xFFFF  }
0xc5: {  	[dreg:$0x0] =	wrdreg $0xFFFFFFFF;
	(pc) =	sbr.abs _section_cstart, $3  }
0xc6: {  	[dreg:$0x1] =	wrdreg $0xFFFFFFFF  }
0xc7: {  	_ =	task.clear_ibuf [dreg:s7], $0x2FFFF;
	_ =	strace $0x9FFFFFFF  }
0xc8: {  	(tm) =	ssettm $0x7FFFFFFF  }
0xc9: {  	_ =	shalt  }
tec
execute0_lowered:
.L_overlay_start_1:
0x0: {  	(tag) =	ssettag $0x1  }
0x1: {  	s0 =	rddreg [dreg:$0x0]  }
0x2: {  	s3 =	rddreg [dreg:$0x1];
	s4 =	srdreg.scid  }
0x3: {  	s1 =	stileid.u32;
	s2 =	simm.s32 $0x0;
	s11 =	simm.s32 $0x2  }
0x4: {  	s12 =	simm.s32 $0x400;
	s13 =	simm.s32 $0x800;
	s28 =	simm.s32 $0x300  }
0x5: {  	s29 =	simm.s32 $0x340;
	s30 =	simm.s32 $0x380;
	s31 =	simm.s32 $0x3C0  }
0x6: {  	s4 =	sand.u32 $0x1, s4;
	s5 =	sshll.u32 s1, $0x1;
	[smem:$0x7FF] =	sst s2  }
0x7: {  	s7 =	sadd.s32 $0xE00, s0;
	s5 =	sor.u32 s4, s5;
	_ =	strace $0x80000047  }
0x8: {  	[dreg:$0x3] =	wrdreg s7;
	s6 =	sshll.u32 s5, $0x7;
	s8 =	smul.u32 $0xFA000, s5  }
0x9: {  	s4 =	ssub.s32 $0x2, s4;
	s9 =	smul.u32 $0x1F400, s5;
	s6 =	sadd.s32 s6, s0  }
0xa: {  	s5 =	sshll.u32 s5, $0x1;
	s25 =	sshrl.u32 s4, $0x1;
	s14 =	sadd.s32 $0x1FA00, s6  }
0xb: {  	s6 =	sadd.s32 $0x20A00, s6;
	s15 =	sshrl.u32 s8, $0x3;
	[dreg:$0x4] =	wrdreg s14  }
0xc: {  	s16 =	sadd.s32 s3, s9;
	[dreg:$0x5] =	wrdreg s6;
	s8 =	sadd.s32 s3, s15  }
0xd: {  	s10 =	ssub.s32 s4, s25;
	[dreg:$0x6] =	wrdreg s16;
	s3 =	sadd.s32 $0x1F40, s8  }
0xe: {  	s25 =	simm.s32 $0x280;
	s17 =	sadd.s32 $0x3E80, s8;
	[dreg:$0x7] =	wrdreg s3  }
0xf: {  	s10 =	smax.u32 s10, $0x1;
	s18 =	sadd.s32 $0x5DC0, s8;
	[dreg:$0x8] =	wrdreg s17  }
0x10: {  	s14 =	simm.s32 $0x40;
	s19 =	sadd.s32 $0x7D00, s8;
	[dreg:$0x9] =	wrdreg s18  }
0x11: {  	s15 =	simm.s32 $0xBE8;
	s20 =	sadd.s32 $0x9C40, s8;
	[dreg:$0xa] =	wrdreg s19  }
0x12: {  	s16 =	simm.s32 $0x1;
	s21 =	sadd.s32 $0xBB80, s8;
	[dreg:$0xb] =	wrdreg s20  }
0x13: {  	s22 =	sadd.s32 $0xDAC0, s8;
	s23 =	sadd.s32 $0xFA00, s8;
	[dreg:$0xc] =	wrdreg s21  }
0x14: {  	s24 =	sadd.s32 $0x11940, s8;
	s26 =	sadd.s32 $0x13880, s8;
	[dreg:$0xd] =	wrdreg s22  }
0x15: {  	s4 =	sadd.s32 $0x157C0, s8;
	s6 =	sadd.s32 $0x19640, s8;
	[dreg:$0xe] =	wrdreg s23  }
0x16: {  	s7 =	sadd.s32 $0x1B580, s8;
	s3 =	sadd.s32 $0x1000, s0;
	[dreg:$0xf] =	wrdreg s24  }
0x17: {  	s0 =	sadd.s32 s5, s0;
	[dreg:$0x10] =	wrdreg s26;
	s5 =	sadd.s32 $0x17700, s8  }
0x18: {  	v0 =	vlaneseq.u32;
	s8 =	sadd.s32 $0x1D4C0, s8;
	s17 =	simm.s32 $0x80;
	s18 =	simm.s32 $0xC0  }
0x19: {  	v0 =	vmul.u32 $0x3E8, v0;
	s19 =	simm.s32 $0x100;
	s20 =	simm.s32 $0x140;
	s21 =	simm.s32 $0x180  }
0x1a: {  	s22 =	simm.s32 $0x1C0;
	s23 =	simm.s32 $0x200;
	s24 =	simm.s32 $0x240  }
0x1b: {  	v1 =	vadd.s32 $0x3E80, v0;
	v2 =	vadd.s32 $0x7D00, v0;
	v3 =	vadd.s32 $0xBB80, v0;
	s26 =	simm.s32 $0x2C0;
	s9 =	sadd.s32 $0x21A00, s0;
	s0 =	simm.s32 $0x105E8  }
.LBB2_1:
0x1c: {  	s1 =	rddreg [dreg:$0x4]  }
0x1d: {  	[tilespmem:s2], [sflag:$0x2] =	stream.linear.gather [hbm4b:s1+s2], $0x400, $0x38;
	[tilespmem:$0x105F8] =	vst v63  }
0x1e: {  	_ =	swait.ge [sflag:s11], $0x400  }
0x1f: {  	[sflag:s11] =	ssyncset.done $0x0  }
0x20: {  	s1 =	rddreg [dreg:$0x5];
	[sflag:s11] =	ssyncadd.s32 $0xFFFFFC00  }
0x21: {  	[tilespmem:s12], [sflag:$0x2] =	stream.linear.gather [hbm4b:s1+s2], $0x400, $0x38;
	[tilespmem:$0x105F8] =	vst v63  }
0x22: {  	_ =	swait.ge [sflag:s11], $0x400  }
0x23: {  	[sflag:s11] =	ssyncset.done $0x0  }
0x24: {  	s1 =	rddreg [dreg:$0x3];
	[sflag:s11] =	ssyncadd.s32 $0xFFFFFC00  }
0x25: {  	[tilespmem:s13], [sflag:$0x2] =	stream.linear.gather [hbm4b:s1+s2], $0x3E8, $0x38;
	[tilespmem:$0x105F8] =	vst v63  }
0x26: {  	_ =	swait.ge [sflag:s11], $0x3E8  }
0x27: {  	[sflag:s11] =	ssyncset.done $0x0  }
0x28: {  	[sflag:s11] =	ssyncadd.s32 $0xFFFFFC18  }
0x29: {  	[tilespmem:s15], [sflag:$0x1] =	stream.indirect.gather [hbm4b:s3+s14], $0x3E8, s2, s14, $0xb8;
	[tilespmem:$0x105F8] =	vst v63  }
0x2a: {  	_ =	swait.ge [sflag:s16], $0xFA00  }
0x2b: {  	[sflag:s16] =	ssyncset.done $0x0  }
0x2c: {  	[sflag:s16] =	ssyncadd.s32 $0xFFFF0600  }
0x2d: {  	v4 =	vld [tilespmem:$0x400]  }
0x2e: {  	v5 =	vld [tilespmem:$0x410]  }
0x2f: {  	v6 =	vld [tilespmem:$0x0]  }
0x30: {  	v8 =	vld [tilespmem:$0x10]  }
0x31: {  	v7 =	vld [tilespmem:$0x420]  }
0x32: {  	v10 =	vld [tilespmem:$0x20]  }
0x33: {  	v12 =	vld [tilespmem:$0x30]  }
0x34: {  	v9 =	vld [tilespmem:$0x430];
	v4 =	vadd.s32 v0, v4;
	_ =	sdelay $0x2  }
0x35: {  	v5 =	vadd.s32 v1, v5;
	v25 =	vld.idx.msk [tilespmem:v6+s13+$0x0], $0xffff  }
0x36: {  	v7 =	vadd.s32 v2, v7;
	v19 =	vld.idx.msk [tilespmem:v8+s13+$0x0], $0xffff  }
0x37: {  	v18 =	vld.idx.msk [tilespmem:v4+s15+$0x0], $0xffff;
	v4 =	vadd.s32 v3, v9  }
0x38: {  	v8 =	vld.idx.msk [tilespmem:v10+s13+$0x0], $0xffff  }
0x39: {  	v6 =	vld.idx.msk [tilespmem:v12+s13+$0x0], $0xffff  }
0x3a: {  	v11 =	vld.idx.msk [tilespmem:v5+s15+$0x0], $0xffff  }
0x3b: {  	s1 =	rddreg [dreg:$0x6];
	v5 =	vld.idx.msk [tilespmem:v7+s15+$0x0], $0xffff  }
0x3c: {  	v4 =	vld.idx.msk [tilespmem:v4+s15+$0x0], $0xffff;
	[hbm4b:s1+s2] =	stream.linear.scatter [tilespmem:s15], [sflag:$0x2], $0xFA00, $0x38  }
0x3d: {  	_ =	swait.ge [sflag:s11], $0xFA00  }
0x3e: {  	[sflag:s11] =	ssyncset.done $0x0  }
0x3f: {  	[sflag:s11] =	ssyncadd.s32 $0xFFFF0600  }
0x40: {  	[tilespmem:s15], [sflag:$0x1] =	stream.indirect.gather [hbm4b:s3+s14], $0x3E8, s14, s14, $0xb8;
	[tilespmem:$0x105F8] =	vst v63  }
0x41: {  	_ =	swait.ge [sflag:s16], $0xFA00  }
0x42: {  	[sflag:s16] =	ssyncset.done $0x0  }
0x43: {  	[sflag:s16] =	ssyncadd.s32 $0xFFFF0600  }
0x44: {  	v38 =	vld [tilespmem:$0x440]  }
0x45: {  	v39 =	vld [tilespmem:$0x450]  }
0x46: {  	v40 =	vld [tilespmem:$0x40]  }
0x47: {  	v13 =	vld [tilespmem:$0x50]  }
0x48: {  	v16 =	vld [tilespmem:$0x60]  }
0x49: {  	v41 =	vld [tilespmem:$0x460]  }
0x4a: {  	v14 =	vld [tilespmem:$0x470];
	_ =	sdelay $0x1  }
0x4b: {  	v7 =	vadd.s32 v0, v38  }
0x4c: {  	v17 =	vld [tilespmem:$0x70];
	v9 =	vadd.s32 v1, v39  }
0x4d: {  	v12 =	vadd.s32 v2, v41;
	v33 =	vld.idx.msk [tilespmem:v40+s13+$0x0], $0xffff  }
0x4e: {  	v42 =	vadd.s32 v3, v14;
	v28 =	vld.idx.msk [tilespmem:v13+s13+$0x0], $0xffff  }
0x4f: {  	v16 =	vld.idx.msk [tilespmem:v16+s13+$0x0], $0xffff  }
0x50: {  	v26 =	vld.idx.msk [tilespmem:v7+s15+$0x0], $0xffff  }
0x51: {  	v15 =	vld.idx.msk [tilespmem:v9+s15+$0x0], $0xffff  }
0x52: {  	v9 =	vld.idx.msk [tilespmem:v12+s15+$0x0], $0xffff  }
0x53: {  	s1 =	rddreg [dreg:$0x7];
	v7 =	vld.idx.msk [tilespmem:v42+s15+$0x0], $0xffff  }
0x54: {  	v12 =	vld.idx.msk [tilespmem:v17+s13+$0x0], $0xffff;
	[hbm4b:s1+s2] =	stream.linear.scatter [tilespmem:s15], [sflag:$0x2], $0xFA00, $0x38  }
0x55: {  	_ =	swait.ge [sflag:s11], $0xFA00  }
0x56: {  	[sflag:s11] =	ssyncset.done $0x0  }
0x57: {  	[sflag:s11] =	ssyncadd.s32 $0xFFFF0600  }
0x58: {  	[tilespmem:s15], [sflag:$0x1] =	stream.indirect.gather [hbm4b:s3+s14], $0x3E8, s17, s14, $0xb8;
	[tilespmem:$0x105F8] =	vst v63  }
0x59: {  	_ =	swait.ge [sflag:s16], $0xFA00  }
0x5a: {  	[sflag:s16] =	ssyncset.done $0x0  }
0x5b: {  	[sflag:s16] =	ssyncadd.s32 $0xFFFF0600  }
0x5c: {  	v43 =	vld [tilespmem:$0x480]  }
0x5d: {  	v44 =	vld [tilespmem:$0x490]  }
0x5e: {  	v45 =	vld [tilespmem:$0x80]  }
0x5f: {  	v21 =	vld [tilespmem:$0x90]  }
0x60: {  	v22 =	vld [tilespmem:$0xA0]  }
0x61: {  	v46 =	vld [tilespmem:$0x4A0]  }
0x62: {  	v20 =	vld [tilespmem:$0x4B0];
	_ =	sdelay $0x1  }
0x63: {  	v10 =	vadd.s32 v0, v43  }
0x64: {  	v23 =	vld [tilespmem:$0xB0];
	v13 =	vadd.s32 v1, v44  }
0x65: {  	v17 =	vadd.s32 v2, v46;
	v41 =	vld.idx.msk [tilespmem:v45+s13+$0x0], $0xffff  }
0x66: {  	v47 =	vadd.s32 v3, v20;
	v34 =	vld.idx.msk [tilespmem:v21+s13+$0x0], $0xffff  }
0x67: {  	v21 =	vld.idx.msk [tilespmem:v22+s13+$0x0], $0xffff  }
0x68: {  	v30 =	vld.idx.msk [tilespmem:v10+s15+$0x0], $0xffff  }
0x69: {  	v20 =	vld.idx.msk [tilespmem:v13+s15+$0x0], $0xffff  }
0x6a: {  	v13 =	vld.idx.msk [tilespmem:v17+s15+$0x0], $0xffff  }
0x6b: {  	s1 =	rddreg [dreg:$0x8];
	v10 =	vld.idx.msk [tilespmem:v47+s15+$0x0], $0xffff  }
0x6c: {  	v17 =	vld.idx.msk [tilespmem:v23+s13+$0x0], $0xffff;
	[hbm4b:s1+s2] =	stream.linear.scatter [tilespmem:s15], [sflag:$0x2], $0xFA00, $0x38  }
0x6d: {  	_ =	swait.ge [sflag:s11], $0xFA00  }
0x6e: {  	[sflag:s11] =	ssyncset.done $0x0  }
0x6f: {  	[sflag:s11] =	ssyncadd.s32 $0xFFFF0600  }
0x70: {  	[tilespmem:s15], [sflag:$0x1] =	stream.indirect.gather [hbm4b:s3+s14], $0x3E8, s18, s14, $0xb8;
	[tilespmem:$0x105F8] =	vst v63  }
0x71: {  	_ =	swait.ge [sflag:s16], $0xFA00  }
0x72: {  	[sflag:s16] =	ssyncset.done $0x0  }
0x73: {  	[sflag:s16] =	ssyncadd.s32 $0xFFFF0600  }
0x74: {  	v48 =	vld [tilespmem:$0x4C0]  }
0x75: {  	v49 =	vld [tilespmem:$0x4D0]  }
0x76: {  	v50 =	vld [tilespmem:$0xC0]  }
0x77: {  	v27 =	vld [tilespmem:$0xD0]  }
0x78: {  	v31 =	vld [tilespmem:$0xE0]  }
0x79: {  	v32 =	vld [tilespmem:$0xF0]  }
0x7a: {  	v24 =	vld [tilespmem:$0x4E0]  }
0x7b: {  	v29 =	vld [tilespmem:$0x4F0];
	_ =	sdelay $0x1  }
0x7c: {  	v14 =	vadd.s32 v0, v48  }
0x7d: {  	v22 =	vadd.s32 v1, v49;
	v47 =	vld.idx.msk [tilespmem:v50+s13+$0x0], $0xffff  }
0x7e: {  	v24 =	vadd.s32 v2, v24;
	v42 =	vld.idx.msk [tilespmem:v27+s13+$0x0], $0xffff  }
0x7f: {  	v51 =	vadd.s32 v3, v29;
	v31 =	vld.idx.msk [tilespmem:v31+s13+$0x0], $0xffff  }
0x80: {  	v23 =	vld.idx.msk [tilespmem:v32+s13+$0x0], $0xffff  }
0x81: {  	v38 =	vld.idx.msk [tilespmem:v14+s15+$0x0], $0xffff  }
0x82: {  	v35 =	vld.idx.msk [tilespmem:v22+s15+$0x0], $0xffff  }
0x83: {  	s1 =	rddreg [dreg:$0x9];
	v22 =	vld.idx.msk [tilespmem:v24+s15+$0x0], $0xffff  }
0x84: {  	v14 =	vld.idx.msk [tilespmem:v51+s15+$0x0], $0xffff;
	[hbm4b:s1+s2] =	stream.linear.scatter [tilespmem:s15], [sflag:$0x2], $0xFA00, $0x38  }
0x85: {  	_ =	swait.ge [sflag:s11], $0xFA00  }
0x86: {  	[sflag:s11] =	ssyncset.done $0x0  }
0x87: {  	[sflag:s11] =	ssyncadd.s32 $0xFFFF0600  }
0x88: {  	[tilespmem:s15], [sflag:$0x1] =	stream.indirect.gather [hbm4b:s3+s14], $0x3E8, s19, s14, $0xb8;
	[tilespmem:$0x105F8] =	vst v63  }
0x89: {  	_ =	swait.ge [sflag:s16], $0xFA00  }
0x8a: {  	[sflag:s16] =	ssyncset.done $0x0  }
0x8b: {  	[sflag:s16] =	ssyncadd.s32 $0xFFFF0600  }
0x8c: {  	v52 =	vld [tilespmem:$0x500]  }
0x8d: {  	v53 =	vld [tilespmem:$0x510]  }
0x8e: {  	v54 =	vld [tilespmem:$0x100]  }
0x8f: {  	v36 =	vld [tilespmem:$0x110]  }
0x90: {  	v40 =	vld [tilespmem:$0x120]  }
0x91: {  	v55 =	vld [tilespmem:$0x520]  }
0x92: {  	v37 =	vld [tilespmem:$0x530];
	_ =	sdelay $0x1  }
0x93: {  	v24 =	vadd.s32 v0, v52  }
0x94: {  	v44 =	vld [tilespmem:$0x130];
	v27 =	vadd.s32 v1, v53  }
0x95: {  	v32 =	vadd.s32 v2, v55;
	v48 =	vld.idx.msk [tilespmem:v54+s13+$0x0], $0xffff  }
0x96: {  	v56 =	vadd.s32 v3, v37;
	v46 =	vld.idx.msk [tilespmem:v36+s13+$0x0], $0xffff  }
0x97: {  	v40 =	vld.idx.msk [tilespmem:v40+s13+$0x0], $0xffff  }
0x98: {  	v43 =	vld.idx.msk [tilespmem:v24+s15+$0x0], $0xffff  }
0x99: {  	v39 =	vld.idx.msk [tilespmem:v27+s15+$0x0], $0xffff  }
0x9a: {  	v29 =	vld.idx.msk [tilespmem:v32+s15+$0x0], $0xffff  }
0x9b: {  	s1 =	rddreg [dreg:$0xa];
	v24 =	vld.idx.msk [tilespmem:v56+s15+$0x0], $0xffff  }
0x9c: {  	v32 =	vld.idx.msk [tilespmem:v44+s13+$0x0], $0xffff;
	[hbm4b:s1+s2] =	stream.linear.scatter [tilespmem:s15], [sflag:$0x2], $0xFA00, $0x38  }
0x9d: {  	_ =	swait.ge [sflag:s11], $0xFA00  }
0x9e: {  	[sflag:s11] =	ssyncset.done $0x0  }
0x9f: {  	[sflag:s11] =	ssyncadd.s32 $0xFFFF0600  }
0xa0: {  	[tilespmem:s15], [sflag:$0x1] =	stream.indirect.gather [hbm4b:s3+s14], $0x3E8, s20, s14, $0xb8;
	[tilespmem:$0x105F8] =	vst v63  }
0xa1: {  	_ =	swait.ge [sflag:s16], $0xFA00  }
0xa2: {  	[sflag:s16] =	ssyncset.done $0x0  }
0xa3: {  	[sflag:s16] =	ssyncadd.s32 $0xFFFF0600  }
0xa4: {  	v57 =	vld [tilespmem:$0x540]  }
0xa5: {  	v58 =	vld [tilespmem:$0x550]  }
0xa6: {  	v59 =	vld [tilespmem:$0x140]  }
0xa7: {  	v60 =	vld [tilespmem:$0x560]  }
0xa8: {  	v45 =	vld [tilespmem:$0x150]  }
0xa9: {  	v52 =	vld [tilespmem:$0x160]  }
0xaa: {  	v54 =	vld [tilespmem:$0x170]  }
0xab: {  	v50 =	vld [tilespmem:$0x570];
	_ =	sdelay $0x2  }
0xac: {  	v27 =	vadd.s32 v0, v57  }
0xad: {  	v36 =	vadd.s32 v1, v58;
	v51 =	vld.idx.msk [tilespmem:v59+s13+$0x0], $0xffff  }
0xae: {  	v53 =	vadd.s32 v2, v60;
	v61 =	vadd.s32 v3, v50;
	v50 =	vld.idx.msk [tilespmem:v45+s13+$0x0], $0xffff  }
0xaf: {  	v45 =	vld.idx.msk [tilespmem:v52+s13+$0x0], $0xffff  }
0xb0: {  	v37 =	vld.idx.msk [tilespmem:v54+s13+$0x0], $0xffff  }
0xb1: {  	v49 =	vld.idx.msk [tilespmem:v27+s15+$0x0], $0xffff  }
0xb2: {  	v44 =	vld.idx.msk [tilespmem:v36+s15+$0x0], $0xffff  }
0xb3: {  	s1 =	rddreg [dreg:$0xb];
	v36 =	vld.idx.msk [tilespmem:v53+s15+$0x0], $0xffff  }
0xb4: {  	v27 =	vld.idx.msk [tilespmem:v61+s15+$0x0], $0xffff;
	[hbm4b:s1+s2] =	stream.linear.scatter [tilespmem:s15], [sflag:$0x2], $0xFA00, $0x38  }
0xb5: {  	_ =	swait.ge [sflag:s11], $0xFA00  }
0xb6: {  	[sflag:s11] =	ssyncset.done $0x0  }
0xb7: {  	[sflag:s11] =	ssyncadd.s32 $0xFFFF0600  }
0xb8: {  	[tilespmem:s15], [sflag:$0x1] =	stream.indirect.gather [hbm4b:s3+s14], $0x3E8, s21, s14, $0xb8;
	[tilespmem:$0x105F8] =	vst v63  }
0xb9: {  	_ =	swait.ge [sflag:s16], $0xFA00  }
0xba: {  	[sflag:s16] =	ssyncset.done $0x0  }
0xbb: {  	[sflag:s16] =	ssyncadd.s32 $0xFFFF0600  }
0xbc: {  	v55 =	vld [tilespmem:$0x5A0];
	_ =	sdelay $0x1  }
0xbd: {  	v25 =	vadd.f32 $0.0e+00, v25;
	_ =	sdelay $0x1  }
0xbe: {  	v18 =	vsub.f32 v25, v18;
	v62 =	vld [tilespmem:$0x580]  }
0xbf: {  	v63 =	vld [tilespmem:$0x590];
	v55 =	vadd.s32 v2, v55  }
0xc0: {  	v19 =	vadd.f32 v19, v18;
	v60 =	vld [tilespmem:$0x180]  }
0xc1: {  	v58 =	vld [tilespmem:$0x1A0]  }
0xc2: {  	v61 =	vsub.f32 v19, v11;
	v56 =	vld [tilespmem:$0x190]  }
0xc3: {  	v57 =	vld [tilespmem:$0x5B0]  }
0xc4: {  	v18 =	vld.idx.msk [tilespmem:v55+s15+$0x0], $0xffff;
	v55 =	vadd.f32 v8, v61  }
0xc5: {  	v52 =	vadd.s32 v0, v62  }
0xc6: {  	v59 =	vld [tilespmem:$0x1B0];
	v53 =	vadd.s32 v1, v63;
	v5 =	vsub.f32 v55, v5;
	_ =	sdelay $0x1  }
0xc7: {  	v57 =	vadd.s32 v3, v57;
	v54 =	vld.idx.msk [tilespmem:v60+s13+$0x0], $0xffff;
	v5 =	vadd.f32 v6, v5  }
0xc8: {  	v19 =	vld.idx.msk [tilespmem:v58+s13+$0x0], $0xffff  }
0xc9: {  	v52 =	vld.idx.msk [tilespmem:v52+s15+$0x0], $0xffff;
	v4 =	vsub.f32 v5, v4  }
0xca: {  	v25 =	vld.idx.msk [tilespmem:v53+s15+$0x0], $0xffff  }
0xcb: {  	v53 =	vld.idx.msk [tilespmem:v56+s13+$0x0], $0xffff;
	v4 =	vadd.f32 v33, v4  }
0xcc: {  	s1 =	rddreg [dreg:$0xc];
	v11 =	vld.idx.msk [tilespmem:v57+s15+$0x0], $0xffff  }
0xcd: {  	v8 =	vld.idx.msk [tilespmem:v59+s13+$0x0], $0xffff;
	[hbm4b:s1+s2] =	stream.linear.scatter [tilespmem:s15], [sflag:$0x2], $0xFA00, $0x38;
	v4 =	vsub.f32 v4, v26  }
0xce: {  	_ =	swait.ge [sflag:s11], $0xFA00  }
0xcf: {  	[sflag:s11] =	ssyncset.done $0x0;
	v4 =	vadd.f32 v28, v4  }
0xd0: {  	[sflag:s11] =	ssyncadd.s32 $0xFFFF0600  }
0xd1: {  	[tilespmem:s15], [sflag:$0x1] =	stream.indirect.gather [hbm4b:s3+s14], $0x3E8, s22, s14, $0xb8;
	v4 =	vsub.f32 v4, v15;
	[tilespmem:$0x105F8] =	vst v63  }
0xd2: {  	_ =	swait.ge [sflag:s16], $0xFA00  }
0xd3: {  	[sflag:s16] =	ssyncset.done $0x0;
	v4 =	vadd.f32 v16, v4  }
0xd4: {  	[sflag:s16] =	ssyncadd.s32 $0xFFFF0600  }
0xd5: {  	v5 =	vld [tilespmem:$0x5C0];
	v4 =	vsub.f32 v4, v9  }
0xd6: {  	v62 =	vld [tilespmem:$0x5D0]  }
0xd7: {  	v26 =	vld [tilespmem:$0x1C0];
	v4 =	vadd.f32 v12, v4  }
0xd8: {  	v63 =	vld [tilespmem:$0x5E0]  }
0xd9: {  	v4 =	vsub.f32 v4, v7  }
0xda: {  	v60 =	vld [tilespmem:$0x5F0]  }
0xdb: {  	v61 =	vld [tilespmem:$0x1E0];
	v5 =	vadd.s32 v0, v5;
	v7 =	vadd.f32 v41, v4  }
0xdc: {  	v33 =	vld [tilespmem:$0x1D0];
	v6 =	vadd.s32 v1, v62  }
0xdd: {  	v28 =	vadd.s32 v2, v63;
	v55 =	vsub.f32 v7, v30  }
0xde: {  	v62 =	vld [tilespmem:$0x1F0]  }
0xdf: {  	v16 =	vld.idx.msk [tilespmem:v26+s13+$0x0], $0xffff;
	v26 =	vadd.f32 v34, v55  }
0xe0: {  	v63 =	vadd.s32 v3, v60;
	v15 =	vld.idx.msk [tilespmem:v5+s15+$0x0], $0xffff  }
0xe1: {  	v6 =	vld.idx.msk [tilespmem:v6+s15+$0x0], $0xffff;
	v20 =	vsub.f32 v26, v20  }
0xe2: {  	v5 =	vld.idx.msk [tilespmem:v28+s15+$0x0], $0xffff  }
0xe3: {  	v9 =	vld.idx.msk [tilespmem:v61+s13+$0x0], $0xffff;
	v20 =	vadd.f32 v21, v20  }
0xe4: {  	v12 =	vld.idx.msk [tilespmem:v33+s13+$0x0], $0xffff  }
0xe5: {  	s1 =	rddreg [dreg:$0xd];
	v4 =	vld.idx.msk [tilespmem:v63+s15+$0x0], $0xffff;
	v13 =	vsub.f32 v20, v13  }
0xe6: {  	v7 =	vld.idx.msk [tilespmem:v62+s13+$0x0], $0xffff;
	[hbm4b:s1+s2] =	stream.linear.scatter [tilespmem:s15], [sflag:$0x2], $0xFA00, $0x38  }
0xe7: {  	_ =	swait.ge [sflag:s11], $0xFA00;
	v13 =	vadd.f32 v17, v13  }
0xe8: {  	[sflag:s11] =	ssyncset.done $0x0  }
0xe9: {  	[sflag:s11] =	ssyncadd.s32 $0xFFFF0600;
	v10 =	vsub.f32 v13, v10  }
0xea: {  	[tilespmem:s15], [sflag:$0x1] =	stream.indirect.gather [hbm4b:s3+s14], $0x3E8, s23, s14, $0xb8;
	[tilespmem:$0x105F8] =	vst v63  }
0xeb: {  	_ =	swait.ge [sflag:s16], $0xFA00;
	v10 =	vadd.f32 v47, v10  }
0xec: {  	[sflag:s16] =	ssyncset.done $0x0  }
0xed: {  	[sflag:s16] =	ssyncadd.s32 $0xFFFF0600;
	v10 =	vsub.f32 v10, v38  }
0xee: {  	v56 =	vld [tilespmem:$0x600]  }
0xef: {  	v57 =	vld [tilespmem:$0x610];
	v10 =	vadd.f32 v42, v10  }
0xf0: {  	v58 =	vld [tilespmem:$0x200]  }
0xf1: {  	v60 =	vld [tilespmem:$0x210];
	v10 =	vsub.f32 v10, v35  }
0xf2: {  	v62 =	vld [tilespmem:$0x220]  }
0xf3: {  	v59 =	vld [tilespmem:$0x620];
	v10 =	vadd.f32 v31, v10  }
0xf4: {  	v61 =	vld [tilespmem:$0x630]  }
0xf5: {  	v22 =	vsub.f32 v10, v22  }
0xf6: {  	v20 =	vadd.s32 v0, v56  }
0xf7: {  	v63 =	vld [tilespmem:$0x230];
	v17 =	vadd.s32 v1, v57;
	v22 =	vadd.f32 v23, v22  }
0xf8: {  	v13 =	vadd.s32 v2, v59;
	v21 =	vld.idx.msk [tilespmem:v58+s13+$0x0], $0xffff  }
0xf9: {  	v28 =	vadd.s32 v3, v61;
	v26 =	vld.idx.msk [tilespmem:v60+s13+$0x0], $0xffff;
	v14 =	vsub.f32 v22, v14  }
0xfa: {  	v30 =	vld.idx.msk [tilespmem:v62+s13+$0x0], $0xffff  }
0xfb: {  	v20 =	vld.idx.msk [tilespmem:v20+s15+$0x0], $0xffff;
	v14 =	vadd.f32 v48, v14  }
0xfc: {  	v17 =	vld.idx.msk [tilespmem:v17+s15+$0x0], $0xffff  }
0xfd: {  	v13 =	vld.idx.msk [tilespmem:v13+s15+$0x0], $0xffff;
	v14 =	vsub.f32 v14, v43  }
0xfe: {  	s1 =	rddreg [dreg:$0xe];
	v10 =	vld.idx.msk [tilespmem:v28+s15+$0x0], $0xffff  }
0xff: {  	v23 =	vld.idx.msk [tilespmem:v63+s13+$0x0], $0xffff;
	[hbm4b:s1+s2] =	stream.linear.scatter [tilespmem:s15], [sflag:$0x2], $0xFA00, $0x38;
	v14 =	vadd.f32 v46, v14  }
0x100: {  	_ =	swait.ge [sflag:s11], $0xFA00  }
0x101: {  	[sflag:s11] =	ssyncset.done $0x0;
	v14 =	vsub.f32 v14, v39  }
0x102: {  	[sflag:s11] =	ssyncadd.s32 $0xFFFF0600  }
0x103: {  	[tilespmem:s15], [sflag:$0x1] =	stream.indirect.gather [hbm4b:s3+s14], $0x3E8, s24, s14, $0xb8;
	v14 =	vadd.f32 v40, v14;
	[tilespmem:$0x105F8] =	vst v63  }
0x104: {  	_ =	swait.ge [sflag:s16], $0xFA00  }
0x105: {  	[sflag:s16] =	ssyncset.done $0x0;
	v14 =	vsub.f32 v14, v29  }
0x106: {  	[sflag:s16] =	ssyncadd.s32 $0xFFFF0600  }
0x107: {  	v38 =	vld [tilespmem:$0x640];
	v14 =	vadd.f32 v32, v14  }
0x108: {  	v41 =	vld [tilespmem:$0x650]  }
0x109: {  	v42 =	vld [tilespmem:$0x240];
	v14 =	vsub.f32 v14, v24  }
0x10a: {  	v46 =	vld [tilespmem:$0x250]  }
0x10b: {  	v48 =	vld [tilespmem:$0x260];
	v14 =	vadd.f32 v51, v14  }
0x10c: {  	v43 =	vld [tilespmem:$0x660]  }
0x10d: {  	v14 =	vsub.f32 v14, v49  }
0x10e: {  	v47 =	vld [tilespmem:$0x670]  }
0x10f: {  	v55 =	vld [tilespmem:$0x270];
	v22 =	vadd.s32 v0, v38;
	v14 =	vadd.f32 v50, v14  }
0x110: {  	v28 =	vadd.s32 v1, v41  }
0x111: {  	v33 =	vadd.s32 v2, v43;
	v31 =	vld.idx.msk [tilespmem:v42+s13+$0x0], $0xffff;
	v14 =	vsub.f32 v14, v44  }
0x112: {  	v34 =	vld.idx.msk [tilespmem:v46+s13+$0x0], $0xffff  }
0x113: {  	v29 =	vadd.s32 v3, v47;
	v32 =	vld.idx.msk [tilespmem:v48+s13+$0x0], $0xffff;
	v14 =	vadd.f32 v45, v14  }
0x114: {  	v22 =	vld.idx.msk [tilespmem:v22+s15+$0x0], $0xffff  }
0x115: {  	v28 =	vld.idx.msk [tilespmem:v28+s15+$0x0], $0xffff;
	v14 =	vsub.f32 v14, v36  }
0x116: {  	v33 =	vld.idx.msk [tilespmem:v33+s15+$0x0], $0xffff  }
0x117: {  	s1 =	rddreg [dreg:$0xf];
	v24 =	vld.idx.msk [tilespmem:v55+s13+$0x0], $0xffff;
	v14 =	vadd.f32 v37, v14  }
0x118: {  	v29 =	vld.idx.msk [tilespmem:v29+s15+$0x0], $0xffff;
	[hbm4b:s1+s2] =	stream.linear.scatter [tilespmem:s15], [sflag:$0x2], $0xFA00, $0x38  }
0x119: {  	_ =	swait.ge [sflag:s11], $0xFA00;
	v14 =	vsub.f32 v14, v27  }
0x11a: {  	[sflag:s11] =	ssyncset.done $0x0  }
0x11b: {  	[sflag:s11] =	ssyncadd.s32 $0xFFFF0600;
	v14 =	vadd.f32 v54, v14  }
0x11c: {  	[tilespmem:s15], [sflag:$0x1] =	stream.indirect.gather [hbm4b:s3+s14], $0x3E8, s25, s14, $0xb8;
	[tilespmem:$0x105F8] =	vst v63  }
0x11d: {  	_ =	swait.ge [sflag:s16], $0xFA00;
	v14 =	vsub.f32 v14, v52  }
0x11e: {  	[sflag:s16] =	ssyncset.done $0x0  }
0x11f: {  	[sflag:s16] =	ssyncadd.s32 $0xFFFF0600;
	v14 =	vadd.f32 v53, v14  }
0x120: {  	v57 =	vld [tilespmem:$0x690]  }
0x121: {  	v58 =	vld [tilespmem:$0x280];
	v14 =	vsub.f32 v14, v25  }
0x122: {  	v59 =	vld [tilespmem:$0x6A0]  }
0x123: {  	v60 =	vld [tilespmem:$0x290];
	v14 =	vadd.f32 v19, v14  }
0x124: {  	v62 =	vld [tilespmem:$0x2A0]  }
0x125: {  	v63 =	vld [tilespmem:$0x2B0];
	v14 =	vsub.f32 v14, v18  }
0x126: {  	v61 =	vld [tilespmem:$0x6B0]  }
0x127: {  	v56 =	vld [tilespmem:$0x680];
	v8 =	vadd.f32 v8, v14;
	_ =	sdelay $0x1  }
0x128: {  	v35 =	vadd.s32 v1, v57;
	v8 =	vsub.f32 v8, v11  }
0x129: {  	v37 =	vadd.s32 v2, v59;
	v40 =	vld.idx.msk [tilespmem:v58+s13+$0x0], $0xffff  }
0x12a: {  	v41 =	vadd.s32 v3, v61;
	v42 =	vld.idx.msk [tilespmem:v60+s13+$0x0], $0xffff;
	v8 =	vadd.f32 v16, v8  }
0x12b: {  	v27 =	vadd.s32 v0, v56;
	v43 =	vld.idx.msk [tilespmem:v62+s13+$0x0], $0xffff  }
0x12c: {  	v45 =	vld.idx.msk [tilespmem:v63+s13+$0x0], $0xffff;
	v8 =	vsub.f32 v8, v15  }
0x12d: {  	v35 =	vld.idx.msk [tilespmem:v35+s15+$0x0], $0xffff  }
0x12e: {  	v37 =	vld.idx.msk [tilespmem:v37+s15+$0x0], $0xffff;
	v8 =	vadd.f32 v12, v8  }
0x12f: {  	s1 =	rddreg [dreg:$0x10];
	v44 =	vld.idx.msk [tilespmem:v41+s15+$0x0], $0xffff  }
0x130: {  	v27 =	vld.idx.msk [tilespmem:v27+s15+$0x0], $0xffff;
	[hbm4b:s1+s2] =	stream.linear.scatter [tilespmem:s15], [sflag:$0x2], $0xFA00, $0x38;
	v6 =	vsub.f32 v8, v6  }
0x131: {  	_ =	swait.ge [sflag:s11], $0xFA00  }
0x132: {  	[sflag:s11] =	ssyncset.done $0x0;
	v6 =	vadd.f32 v9, v6  }
0x133: {  	[sflag:s11] =	ssyncadd.s32 $0xFFFF0600  }
0x134: {  	[tilespmem:s15], [sflag:$0x1] =	stream.indirect.gather [hbm4b:s3+s14], $0x3E8, s26, s14, $0xb8;
	v5 =	vsub.f32 v6, v5;
	[tilespmem:$0x105F8] =	vst v63  }
0x135: {  	_ =	swait.ge [sflag:s16], $0xFA00  }
0x136: {  	[sflag:s16] =	ssyncset.done $0x0;
	v5 =	vadd.f32 v7, v5  }
0x137: {  	[sflag:s16] =	ssyncadd.s32 $0xFFFF0600  }
0x138: {  	v46 =	vld [tilespmem:$0x6C0];
	v4 =	vsub.f32 v5, v4  }
0x139: {  	v47 =	vld [tilespmem:$0x6D0]  }
0x13a: {  	v51 =	vld [tilespmem:$0x2E0];
	v4 =	vadd.f32 v21, v4  }
0x13b: {  	v52 =	vld [tilespmem:$0x2F0]  }
0x13c: {  	v50 =	vld [tilespmem:$0x2D0];
	v4 =	vsub.f32 v4, v20  }
0x13d: {  	v48 =	vld [tilespmem:$0x2C0]  }
0x13e: {  	v49 =	vld [tilespmem:$0x6E0];
	v4 =	vadd.f32 v26, v4  }
0x13f: {  	v5 =	vld [tilespmem:$0x6F0]  }
0x140: {  	v4 =	vsub.f32 v4, v17  }
0x141: {  	v8 =	vadd.s32 v0, v46  }
0x142: {  	v15 =	vld.idx.msk [tilespmem:v51+s13+$0x0], $0xffff;
	v6 =	vadd.s32 v1, v47;
	v4 =	vadd.f32 v30, v4  }
0x143: {  	v53 =	vld.idx.msk [tilespmem:v52+s13+$0x0], $0xffff;
	v7 =	vadd.s32 v2, v49  }
0x144: {  	v12 =	vld.idx.msk [tilespmem:v50+s13+$0x0], $0xffff;
	v5 =	vadd.s32 v3, v5;
	v4 =	vsub.f32 v4, v13  }
0x145: {  	v9 =	vld.idx.msk [tilespmem:v48+s13+$0x0], $0xffff  }
0x146: {  	v8 =	vld.idx.msk [tilespmem:v8+s15+$0x0], $0xffff;
	v4 =	vadd.f32 v23, v4  }
0x147: {  	v6 =	vld.idx.msk [tilespmem:v6+s15+$0x0], $0xffff  }
0x148: {  	v7 =	vld.idx.msk [tilespmem:v7+s15+$0x0], $0xffff;
	v4 =	vsub.f32 v4, v10  }
0x149: {  	v5 =	vld.idx.msk [tilespmem:v5+s15+$0x0], $0xffff;
	[hbm4b:s4+s2] =	stream.linear.scatter [tilespmem:s15], [sflag:$0x2], $0xFA00, $0x38  }
0x14a: {  	_ =	swait.ge [sflag:s11], $0xFA00;
	v4 =	vadd.f32 v31, v4  }
0x14b: {  	[sflag:s11] =	ssyncset.done $0x0  }
0x14c: {  	[sflag:s11] =	ssyncadd.s32 $0xFFFF0600;
	v4 =	vsub.f32 v4, v22  }
0x14d: {  	[tilespmem:s15], [sflag:$0x1] =	stream.indirect.gather [hbm4b:s3+s14], $0x3E8, s28, s14, $0xb8;
	[tilespmem:$0x105F8] =	vst v63  }
0x14e: {  	_ =	swait.ge [sflag:s16], $0xFA00;
	v4 =	vadd.f32 v34, v4  }
0x14f: {  	[sflag:s16] =	ssyncset.done $0x0  }
0x150: {  	[sflag:s16] =	ssyncadd.s32 $0xFFFF0600;
	v4 =	vsub.f32 v4, v28  }
0x151: {  	v54 =	vld [tilespmem:$0x700]  }
0x152: {  	v55 =	vld [tilespmem:$0x710];
	v4 =	vadd.f32 v32, v4  }
0x153: {  	v56 =	vld [tilespmem:$0x300]  }
0x154: {  	v58 =	vld [tilespmem:$0x310];
	v4 =	vsub.f32 v4, v33  }
0x155: {  	v60 =	vld [tilespmem:$0x320]  }
0x156: {  	v61 =	vld [tilespmem:$0x330];
	v4 =	vadd.f32 v24, v4  }
0x157: {  	v57 =	vld [tilespmem:$0x720]  }
0x158: {  	v59 =	vld [tilespmem:$0x730];
	v4 =	vsub.f32 v4, v29;
	_ =	sdelay $0x1  }
0x159: {  	v10 =	vadd.s32 v0, v54;
	v4 =	vadd.f32 v40, v4  }
0x15a: {  	v17 =	vadd.s32 v1, v55;
	v19 =	vld.idx.msk [tilespmem:v56+s13+$0x0], $0xffff  }
0x15b: {  	v20 =	vadd.s32 v2, v57;
	v62 =	vld.idx.msk [tilespmem:v58+s13+$0x0], $0xffff;
	v4 =	vsub.f32 v4, v27  }
0x15c: {  	v22 =	vadd.s32 v3, v59;
	v63 =	vld.idx.msk [tilespmem:v60+s13+$0x0], $0xffff  }
0x15d: {  	v28 =	vld.idx.msk [tilespmem:v61+s13+$0x0], $0xffff;
	v4 =	vadd.f32 v42, v4  }
0x15e: {  	v10 =	vld.idx.msk [tilespmem:v10+s15+$0x0], $0xffff  }
0x15f: {  	v17 =	vld.idx.msk [tilespmem:v17+s15+$0x0], $0xffff;
	v4 =	vsub.f32 v4, v35  }
0x160: {  	v20 =	vld.idx.msk [tilespmem:v20+s15+$0x0], $0xffff  }
0x161: {  	v22 =	vld.idx.msk [tilespmem:v22+s15+$0x0], $0xffff;
	[hbm4b:s5+s2] =	stream.linear.scatter [tilespmem:s15], [sflag:$0x2], $0xFA00, $0x38;
	v4 =	vadd.f32 v43, v4  }
0x162: {  	_ =	swait.ge [sflag:s11], $0xFA00  }
0x163: {  	[sflag:s11] =	ssyncset.done $0x0;
	v4 =	vsub.f32 v4, v37  }
0x164: {  	[sflag:s11] =	ssyncadd.s32 $0xFFFF0600  }
0x165: {  	[tilespmem:s15], [sflag:$0x1] =	stream.indirect.gather [hbm4b:s3+s14], $0x3E8, s29, s14, $0xb8;
	v4 =	vadd.f32 v45, v4;
	[tilespmem:$0x105F8] =	vst v63  }
0x166: {  	_ =	swait.ge [sflag:s16], $0xFA00  }
0x167: {  	[sflag:s16] =	ssyncset.done $0x0;
	v4 =	vsub.f32 v4, v44  }
0x168: {  	[sflag:s16] =	ssyncadd.s32 $0xFFFF0600  }
0x169: {  	v29 =	vld [tilespmem:$0x740];
	v4 =	vadd.f32 v9, v4  }
0x16a: {  	v30 =	vld [tilespmem:$0x750]  }
0x16b: {  	v31 =	vld [tilespmem:$0x340];
	v4 =	vsub.f32 v4, v8  }
0x16c: {  	v33 =	vld [tilespmem:$0x350]  }
0x16d: {  	v32 =	vld [tilespmem:$0x760];
	v4 =	vadd.f32 v12, v4  }
0x16e: {  	v34 =	vld [tilespmem:$0x770]  }
0x16f: {  	v35 =	vld [tilespmem:$0x360];
	v4 =	vsub.f32 v4, v6  }
0x170: {  	v11 =	vadd.s32 v0, v29  }
0x171: {  	v16 =	vadd.s32 v1, v30;
	v4 =	vadd.f32 v15, v4  }
0x172: {  	v36 =	vld [tilespmem:$0x370]  }
0x173: {  	v37 =	vld.idx.msk [tilespmem:v31+s13+$0x0], $0xffff;
	v9 =	vadd.s32 v2, v32;
	v4 =	vsub.f32 v4, v7  }
0x174: {  	v38 =	vld.idx.msk [tilespmem:v33+s13+$0x0], $0xffff;
	v8 =	vadd.s32 v3, v34  }
0x175: {  	v11 =	vld.idx.msk [tilespmem:v11+s15+$0x0], $0xffff;
	v4 =	vadd.f32 v53, v4  }
0x176: {  	v16 =	vld.idx.msk [tilespmem:v16+s15+$0x0], $0xffff  }
0x177: {  	v12 =	vld.idx.msk [tilespmem:v35+s13+$0x0], $0xffff;
	v4 =	vsub.f32 v4, v5  }
0x178: {  	v9 =	vld.idx.msk [tilespmem:v9+s15+$0x0], $0xffff  }
0x179: {  	v8 =	vld.idx.msk [tilespmem:v8+s15+$0x0], $0xffff;
	v4 =	vadd.f32 v19, v4  }
0x17a: {  	v5 =	vld.idx.msk [tilespmem:v36+s13+$0x0], $0xffff;
	[hbm4b:s6+s2] =	stream.linear.scatter [tilespmem:s15], [sflag:$0x2], $0xFA00, $0x38  }
0x17b: {  	_ =	swait.ge [sflag:s11], $0xFA00;
	v4 =	vsub.f32 v4, v10  }
0x17c: {  	[sflag:s11] =	ssyncset.done $0x0  }
0x17d: {  	[sflag:s11] =	ssyncadd.s32 $0xFFFF0600;
	v4 =	vadd.f32 v62, v4  }
0x17e: {  	[tilespmem:s15], [sflag:$0x1] =	stream.indirect.gather [hbm4b:s3+s14], $0x3E8, s30, s14, $0xb8;
	[tilespmem:$0x105F8] =	vst v63  }
0x17f: {  	_ =	swait.ge [sflag:s16], $0xFA00;
	v4 =	vsub.f32 v4, v17  }
0x180: {  	[sflag:s16] =	ssyncset.done $0x0  }
0x181: {  	[sflag:s16] =	ssyncadd.s32 $0xFFFF0600;
	v4 =	vadd.f32 v63, v4  }
0x182: {  	v39 =	vld [tilespmem:$0x780]  }
0x183: {  	v40 =	vld [tilespmem:$0x790];
	v4 =	vsub.f32 v4, v20  }
0x184: {  	v41 =	vld [tilespmem:$0x380]  }
0x185: {  	v43 =	vld [tilespmem:$0x390];
	v4 =	vadd.f32 v28, v4  }
0x186: {  	v45 =	vld [tilespmem:$0x3A0]  }
0x187: {  	v46 =	vld [tilespmem:$0x3B0];
	v4 =	vsub.f32 v4, v22  }
0x188: {  	v42 =	vld [tilespmem:$0x7A0]  }
0x189: {  	v44 =	vld [tilespmem:$0x7B0];
	v4 =	vadd.f32 v37, v4;
	_ =	sdelay $0x1  }
0x18a: {  	v6 =	vadd.s32 v0, v39;
	v4 =	vsub.f32 v4, v11  }
0x18b: {  	v10 =	vadd.s32 v1, v40;
	v47 =	vld.idx.msk [tilespmem:v41+s13+$0x0], $0xffff  }
0x18c: {  	v17 =	vadd.s32 v2, v42;
	v49 =	vld.idx.msk [tilespmem:v43+s13+$0x0], $0xffff;
	v4 =	vadd.f32 v38, v4  }
0x18d: {  	v48 =	vadd.s32 v3, v44;
	v51 =	vld.idx.msk [tilespmem:v45+s13+$0x0], $0xffff  }
0x18e: {  	v52 =	vld.idx.msk [tilespmem:v46+s13+$0x0], $0xffff;
	v4 =	vsub.f32 v4, v16  }
0x18f: {  	v6 =	vld.idx.msk [tilespmem:v6+s15+$0x0], $0xffff  }
0x190: {  	v10 =	vld.idx.msk [tilespmem:v10+s15+$0x0], $0xffff;
	v4 =	vadd.f32 v12, v4  }
0x191: {  	v50 =	vld.idx.msk [tilespmem:v17+s15+$0x0], $0xffff  }
0x192: {  	v13 =	vld.idx.msk [tilespmem:v48+s15+$0x0], $0xffff;
	[hbm4b:s7+s2] =	stream.linear.scatter [tilespmem:s15], [sflag:$0x2], $0xFA00, $0x38;
	v4 =	vsub.f32 v4, v9  }
0x193: {  	_ =	swait.ge [sflag:s11], $0xFA00  }
0x194: {  	[sflag:s11] =	ssyncset.done $0x0;
	v4 =	vadd.f32 v5, v4  }
0x195: {  	[sflag:s11] =	ssyncadd.s32 $0xFFFF0600  }
0x196: {  	[tilespmem:s15], [sflag:$0x1] =	stream.indirect.gather [hbm4b:s3+s14], $0x3E8, s31, s14, $0xb8;
	v4 =	vsub.f32 v4, v8;
	[tilespmem:$0x105F8] =	vst v63  }
0x197: {  	_ =	swait.ge [sflag:s16], $0xFA00  }
0x198: {  	[sflag:s16] =	ssyncset.done $0x0;
	v4 =	vadd.f32 v47, v4  }
0x199: {  	[sflag:s16] =	ssyncadd.s32 $0xFFFF0600  }
0x19a: {  	v53 =	vld [tilespmem:$0x7C0];
	v4 =	vsub.f32 v4, v6  }
0x19b: {  	v5 =	vld [tilespmem:$0x3C0]  }
0x19c: {  	v4 =	vadd.f32 v49, v4;
	_ =	sdelay $0x1  }
0x19d: {  	v54 =	vld [tilespmem:$0x3D0];
	v4 =	vsub.f32 v4, v10  }
0x19e: {  	v55 =	vld [tilespmem:$0x7D0]  }
0x19f: {  	v6 =	vadd.s32 v0, v53;
	v4 =	vadd.f32 v51, v4  }
0x1a0: {  	v56 =	vld [tilespmem:$0x7E0]  }
0x1a1: {  	v57 =	vld [tilespmem:$0x3E0];
	v4 =	vsub.f32 v4, v50  }
0x1a2: {  	v5 =	vld.idx.msk [tilespmem:v5+s13+$0x0], $0xffff  }
0x1a3: {  	v58 =	vld [tilespmem:$0x7F0];
	v8 =	vadd.s32 v1, v55;
	v4 =	vadd.f32 v52, v4  }
0x1a4: {  	v6 =	vld.idx.msk [tilespmem:v6+s15+$0x0], $0xffff  }
0x1a5: {  	v59 =	vld [tilespmem:$0x3F0];
	v4 =	vsub.f32 v4, v13  }
0x1a6: {  	v7 =	vld.idx.msk [tilespmem:v54+s13+$0x0], $0xffff  }
0x1a7: {  	v4 =	vadd.f32 v5, v4;
	v5 =	vadd.s32 v2, v56  }
0x1a8: {  	v8 =	vld.idx.msk [tilespmem:v8+s15+$0x0], $0xffff  }
0x1a9: {  	v4 =	vsub.f32 v4, v6  }
0x1aa: {  	v60 =	vld.idx.msk [tilespmem:v57+s13+$0x0], $0xffff  }
0x1ab: {  	v61 =	vadd.s32 v3, v58;
	v4 =	vadd.f32 v7, v4  }
0x1ac: {  	v5 =	vld.idx.msk [tilespmem:v5+s15+$0x0], $0xffff  }
0x1ad: {  	v4 =	vsub.f32 v4, v8  }
0x1ae: {  	v62 =	vld.idx.msk [tilespmem:v59+s13+$0x0], $0xffff  }
0x1af: {  	v4 =	vadd.f32 v60, v4  }
0x1b0: {  	v63 =	vld.idx.msk [tilespmem:v61+s15+$0x0], $0xffff  }
0x1b1: {  	v4 =	vsub.f32 v4, v5;
	_ =	sdelay $0x1  }
0x1b2: {  	[hbm4b:s8+s2] =	stream.linear.scatter [tilespmem:s15], [sflag:$0x2], $0xFA00, $0x38;
	v4 =	vadd.f32 v62, v4;
	[tilespmem:$0x105F8] =	vst v63  }
0x1b3: {  	_ =	swait.ge [sflag:s11], $0xFA00  }
0x1b4: {  	[sflag:s11] =	ssyncset.done $0x0;
	v4 =	vsub.f32 v4, v63  }
0x1b5: {  	p0 =	sne.s32 s10, $0x1;
	[sflag:s11] =	ssyncadd.s32 $0xFFFF0600  }
.Ltmp0:
0x1b6: {  	[tilespmem:$0x105E8] =	vst v4;
	(pc) =	sbr.rel @p0 .LBB2_1-.Ltmp0, $4  }
0x1b7: {  	[hbm4b:s9+s2] =	stream.linear.scatter [tilespmem:s0], [sflag:$0x2], $0x10, $0x38;
	[tilespmem:$0x105F8] =	vst v63  }
0x1b8: {  	_ =	swait.ge [sflag:s11], $0x10  }
0x1b9: {  	[sflag:s11] =	ssyncset.done $0x0  }
0x1ba: {  	s10 =	sadd.s32 $0xFFFFFFFF, s10;
	[sflag:s11] =	ssyncadd.s32 $0xFFFFFFF0  }
0x1bb: {  	_ =	sfence.sel $0x180000  }
0x1bc: {  	[bflag:$0x0] =	sbarrier.arrive $0xFFFF  }
0x1bd: {  	_ =	strace $0x90000047  }
0x1be: {  	s0 =	stileid.u32;
	[bflag:$0x2] =	sbarrier.arrive $0xFFFF  }
0x1bf: {  	p0 =	sne.s32 s0, $0x0;
	s0 =	rddreg [dreg:$0x2]  }
0x1c0: {  	s0 =	sadd.s32 @!p0 $0x100000, s0  }
0x1c1: {  	[sflag:s0] =	ssyncadd.tile.s32 @!p0 $0x1;
	_ =	shalt  }
.Lfunc_end2:
_tile_overlayer_lowered:
.L_overlay_start_2:
0x1c2: {  	(tag) =	ssettag $0x2  }
0x1c3: {  	s0 =	rddreg [dreg:$0x0];
	s2 =	stileid.u32  }
0x1c4: {  	s1 =	rddreg [dreg:$0x1];
	p0 =	sne.s32 s2, $0x0  }
0x1c5: {  	s3 =	rddreg [dreg:$0x2];
	[bflag:$0x3] =	sbarrier.arrive $0xFFFF;
	s2 =	simm.s32 @!p0 $0x1C02  }
0x1c6: {  	[timem:s3], [sflag:s2] =	dma.local @!p0 [hbm:s0], s1  }
0x1c7: {  	s0 =	simm.s32 @!p0 $0x2  }
0x1c8: {  	_ =	swait.ge @!p0 [sflag:s0], s1  }
0x1c9: {  	s1 =	ssub.s32 @!p0 $0x0, s1;
	[sflag:s0] =	ssyncset.done @!p0 $0x0  }
0x1ca: {  	[sflag:s0] =	ssyncadd.s32 @!p0 s1  }
0x1cb: {  	[bflag:$0x3] =	sbarrier.arrive $0xFFFF  }
0x1cc: {  	_ =	shalt  }

// kernel: sparse-core-data-format-call.cloned.1.call-start
scs
called_computation_lowered:
.L_overlay_start_0:
0x0: {  	s2 =	sld [smem:$0x3FD9]  }
0x1: {  	s3 =	sld [smem:$0x3FFE];
	_ =	sdelay $0x1  }
0x2: {  	s1 =	srdreg.scid  }
0x3: {  	s0 =	sand.u32 $0x1, s1  }
0x4: {  	s15 =	sshll.u32 s0, $0xA;
	s2 =	sadd.s32 s3, s2  }
0x5: {  	s2 =	sadd.s32 s2, s15  }
0x6: {  	[smem:$0x3FC5] =	sst s2  }
0x7: {  	_ = 	snop  }
0x8: {  	s2 =	sld [smem:$0x3FD0];
	_ =	sdelay $0x2  }
0x9: {  	s16 =	simm.s32 $0xA;
	s4 =	simm.s32 $0x10  }
0xa: {  	[smem:s4], [sflag:s16] =	dma.local [hbm:s2], $0x1  }
0xb: {  	_ =	swait.eq [sflag:s16], $0x1  }
0xc: {  	[sflag:s16] =	ssyncset.done $0x0  }
0xd: {  	[sflag:s16] =	ssyncadd.s32 $0xFFFFFFFF  }
0xe: {  	s17 =	sld [smem:$0x10];
	(tm) =	ssettm $0x1  }
0xf: {  	s18 =	sld [smem:$0x3FFB];
	_ =	sdelay $0x3  }
0x10: {  	_ =	strace s18  }
0x11: {  	s3 =	sld [smem:$0x3FFC];
	_ =	sdelay $0x3  }
0x12: {  	_ =	strace s3  }
0x13: {  	s3 =	sld [smem:$0x3FFD];
	_ =	sdelay $0x3  }
0x14: {  	_ =	strace s3  }
0x15: {  	_ =	strace $0x8FFFFFFF  }
0x16: {  	s19 =	sld [smem:$0x3FDB];
	_ =	sdelay $0x1  }
0x17: {  	s20 =	simm.s32 $_scs_section_size  }
0x18: {  	s5 =	simm.s32 $_size__tile_overlayer_lowered;
	s6 =	simm.s32 $_tile_overlayer_lowered  }
0x19: {  	s23 =	simm.s32 $0x1BFF;
	s22 =	sshll.u32 s6, $0x1;
	s3 =	sadd.s32 s20, s19  }
0x1a: {  	s7 =	simm.s32 $0x0;
	s21 =	sshll.u32 s5, $0x1;
	s5 =	sadd.s32 s22, s3  }
0x1b: {  	[timem:s7], [sflag:s23] =	dma.local [hbm:s5], s21  }
0x1c: {  	_ =	swait.ge [sflag:s23], s21  }
0x1d: {  	s4 =	ssub.s32 $0x0, s21;
	[sflag:s23] =	ssyncset.done $0x0  }
0x1e: {  	[sflag:s23] =	ssyncadd.s32 s4;
	_ =	sdelay $0x1  }
0x1f: {  	s24 =	simm.s32 $0x1B8B  }
0x20: {  	_ =	swait.ge [sflag:s24], $0x1  }
0x21: {  	[sflag:s24] =	ssyncset.done $0x0  }
0x22: {  	s26 =	simm.s32 $0x1B8E;
	s25 =	sld [smem:$0x3FFE];
	[sflag:s24] =	ssyncadd.s32 $0xFFFFFFFF  }
0x23: {  	s27 =	simm.s32 $execute0_lowered;
	[smem:$0x3FD2] =	sst s26  }
0x24: {  	s5 =	sshll.u32 s27, $0x1;
	_ =	strace $0x80000049;
	[dreg:$0x1] =	wrdreg $0xFFFFFFFF  }
0x25: {  	s28 =	simm.s32 $_size_execute0_lowered;
	s3 =	sadd.s32 s3, s5;
	[dreg:$0x0] =	wrdreg $0x0  }
0x26: {  	s5 =	sshll.u32 s28, $0x1;
	[dreg:$0x2] =	wrdreg s3  }
0x27: {  	[dreg:$0x3] =	wrdreg s5  }
0x28: {  	[dreg:$0x4] =	wrdreg $0xC0  }
0x29: {  	_ =	task [dreg:s7], $0x5FFFF  }
0x2a: {  	[dreg:$0x1] =	wrdreg $0xFFFFFFFF  }
0x2b: {  	[dreg:$0x0] =	wrdreg $0x60  }
0x2c: {  	[dreg:$0x2] =	wrdreg s25  }
0x2d: {  	[dreg:$0x3] =	wrdreg s17  }
0x2e: {  	[dreg:$0x4] =	wrdreg $0x9  }
0x2f: {  	_ =	task.clear_ibuf [dreg:s7], $0x5FFFF;
	_ =	strace $0x90000049  }
0x30: {  	s29 =	simm.s32 $0x9;
	_ =	strace $0x8000004B  }
0x31: {  	_ =	swait.ge [sflag:s29], $0x1  }
0x32: {  	[sflag:s29] =	ssyncadd.s32 $0xFFFFFFFF  }
0x33: {  	_ =	strace $0x9000004B  }
0x34: {  	_ =	sfence  }
0x35: {  	s30 =	sld [smem:$0x0];
	_ =	sdelay $0x2  }
0x36: {  	s31 =	sshll.u32 s1, $0xD;
	s1 =	sshrl.u32 s1, $0x2  }
0x37: {  	s3 =	sand.u32 $0x4000, s31;
	s1 =	sadd.s32 s1, s30  }
0x38: {  	s0 =	sor.u32 s3, s0;
	s1 =	sshll.u32 s1, $0x11  }
0x39: {  	s0 =	sor.u32 s1, s0  }
0x3a: {  	s0 =	sadd.s32 $0x8F2B, s0  }
0x3b: {  	[sflag:s0] =	ssyncadd.remote.s32 $0x1  }
0x3c: {  	_ =	sfence.sel $0xFFFF  }
0x3d: {  	[dreg:$0x0] =	wrdreg $0xFFFFFFFF;
	(pc) =	sbr.abs _section_cstart, $3  }
0x3e: {  	[dreg:$0x1] =	wrdreg $0xFFFFFFFF  }
0x3f: {  	_ =	task.clear_ibuf [dreg:s7], $0x2FFFF;
	_ =	strace $0x9FFFFFFF  }
0x40: {  	(tm) =	ssettm $0x7FFFFFFF  }
0x41: {  	_ =	shalt  }
tec
execute0_lowered:
.L_overlay_start_1:
0x0: {  	(tag) =	ssettag $0x1  }
0x1: {  	s0 =	srdreg.scid;
	s5 =	rddreg [dreg:$0x0]  }
0x2: {  	s3 =	rddreg [dreg:$0x1];
	s1 =	sshll.u32 s0, $0x4  }
0x3: {  	s7 =	simm.s32 $0x1;
	s0 =	stileid.u32;
	s1 =	sand.u32 $0x10, s1  }
0x4: {  	s8 =	simm.s32 $0x2;
	s15 =	simm.s32 $0x0;
	s1 =	sor.u32 s0, s1  }
0x5: {  	s14 =	simm.s32 $0x0;
	s9 =	simm.s32 $0x0;
	s2 =	sshll.u32 s1, $0x7  }
0x6: {  	s10 =	simm.s32 $0x0;
	s11 =	simm.s32 $0x0;
	s6 =	ssub.s32 $0x8000, s2  }
0x7: {  	s13 =	simm.s32 $0x0;
	s5 =	sadd.s32 $0x21C00, s5;
	s4 =	sand.u32 $0xF80, s6  }
.Ltmp0:
0x8: {  	s1 =	rddreg [dreg:$0x2];
	p0 =	sne.s32 s4, $0x0;
	(pc) =	sbr.rel .LBB1_1-.Ltmp0, $4  }
0x9: {  	_ =	strace $0x8000004A;
	s6 =	sshrl.u32 s6, $0xC;
	s7 =	simm.s32 @!p0 $0x0  }
0xa: {  	s12 =	smov.u32 s2;
	s4 =	simm.s32 $0x1;
	s6 =	sadd.s32 s7, s6  }
0xb: {  	[sflag:s4] =	ssyncpa.u1 $0x0;
	p0 =	por $0x0, $0x0;
	s6 =	sshll.u32 s6, $0x3  }
0xc: {  	[sflag:s8] =	ssyncpa.u1 $0x0;
	s8 =	simm.s32 $0x40000;
	s7 =	sor.u32 $0x1, s6  }
.LBB1_4:
0xd: {  	s20 =	sshra.s32 s20, $0x2  }
0xe: {  	s28 =	sand.u32 $0x78, s10;
	s21 =	sshll.u32 s9, $0xF;
	s22 =	sshll.u32 s10, $0x3  }
0xf: {  	s24 =	sshll.u32 s9, $0x7;
	p1 =	sgt.s32 s9, $0x368;
	s30 =	sshra.s32 s9, $0x1F  }
0x10: {  	s26 =	sshra.s32 s10, $0x1F;
	s19 =	sadd.s32 s20, s19;
	s21 =	sand.u32 $0xFFFC0000, s21  }
0x11: {  	v5 =	vld [tilespmem:s17+$0xFFFFFFD0];
	[tilespmem:s18+$0x2040 ss:$0x81] =	vst.msk $0xffff, v4;
	s23 =	sand.u32 $0xFFFFFC00, s22;
	s29 =	sand.u32 $0x380, s24;
	s22 =	sand.u32 $0x7C00, s22  }
0x12: {  	v58 =	vld [tilespmem:s17+$0xFFFFFFE0];
	[tilespmem:s18+$0x2850 ss:$0x81] =	vst.msk $0xffff, v3;
	s21 =	sadd.s32 s23, s21;
	s20 =	sor.u32 s28, s22;
	s22 =	smov.u32 s9  }
0x13: {  	v59 =	vld [tilespmem:s17+$0xFFFFFFF0];
	[tilespmem:s18+$0x3060 ss:$0x81] =	vst.msk $0xffff, v2;
	s24 =	sand.u32 s30, s9;
	s21 =	sshrl.u32 s21, $0xF;
	s22 =	simm.s32 @!p1 $0x368  }
0x14: {  	v60 =	vld [tilespmem:s17+$0x0];
	[tilespmem:s18+$0x0 ss:$0x81] =	vst.msk $0xffff, v1;
	p1 =	sgt.s32 s10, $0x7F80;
	s31 =	ssub.s32 s22, s24;
	s22 =	smov.u32 s10  }
0x15: {  	v61 =	vld [tilespmem:s17+$0x10];
	[tilespmem:s19+$0x3870 ss:$0x81] =	vst.msk $0xffff, v0;
	s25 =	smulhi.u32 $0x418938, s21;
	s24 =	sand.u32 s26, s10;
	s22 =	simm.s32 @!p1 $0x7F80  }
0x16: {  	v62 =	vld [tilespmem:s17+$0x20];
	s20 =	sor.u32 s29, s20;
	[tilespmem:s19+$0x810 ss:$0x81] =	vst.msk $0xffff, v5;
	s27 =	sadd.s32 $0xFFFFFC98, s31;
	s22 =	ssub.s32 s22, s24  }
0x17: {  	v63 =	vld [tilespmem:s17+$0xFFFFFFC0];
	[tilespmem:s19+$0x1020 ss:$0x81] =	vst.msk $0xffff, v58;
	s18 =	ssub.s32 $0x3E8, s31;
	s28 =	smul.u32 $0x3E8, s25;
	s29 =	sadd.s32 $0xFFFF8080, s22  }
0x18: {  	[tilespmem:s19+$0x1830 ss:$0x81] =	vst.msk $0xffff, v59;
	p1 =	sgt.s32 s27, $0x7F;
	s22 =	ssub.s32 $0x8000, s22;
	p2 =	sgt.s32 s29, $0x7F  }
0x19: {  	s30 =	sand.u32 $0x7, s10;
	[tilespmem:s19+$0x2040 ss:$0x81] =	vst.msk $0xffff, v60;
	s18 =	simm.s32 @p1 $0x0;
	s22 =	simm.s32 @p2 $0x0  }
0x1a: {  	s20 =	sshrl.u32 s20, $0x3;
	[tilespmem:s19+$0x2850 ss:$0x81] =	vst.msk $0xffff, v61;
	s17 =	ssub.s32 s21, s28;
	s18 =	smul.u32 s22, s18  }
0x1b: {  	[tilespmem:s19+$0x3060 ss:$0x81] =	vst.msk $0xffff, v62;
	s20 =	sadd.s32 s3, s20;
	s21 =	sshll.u32 s30, $0x12;
	s17 =	sshll.u32 s17, $0xC  }
0x1c: {  	[tilespmem:s19+$0x0 ss:$0x81] =	vst.msk $0xffff, v63;
	s31 =	sor.u32 $0x400, s21;
	s17 =	sadd.s32 s17, s20;
	s18 =	sand.u32 $0x3FFFFFFF, s18  }
0x1d: {  	[hbm4b:s17+s31] =	stream.strided.scatter [tilespmem:s16], [sflag:$0x2], s18, s8, s31, $0x20;
	[tilespmem:$0x10100] =	vst v63  }
.LBB1_5:
0x1e: {  	p1 =	slt.u32 s13, $0x2  }
0x1f: {  	s17 =	smov.u32 s15;
	p2 =	sgt.s32 @!p1 s15, $0x368;
	s16 =	sshra.s32 @!p1 s15, $0x1F  }
0x20: {  	p3 =	sgt.s32 @!p1 s14, $0x7F80;
	s18 =	sshra.s32 @!p1 s14, $0x1F;
	p2 =	por !p2, p1  }
0x21: {  	s15 =	sand.u32 @!p1 s16, s15;
	p3 =	por !p3, p1;
	s16 =	smov.u32 s14  }
0x22: {  	s14 =	sand.u32 @!p1 s18, s14;
	s17 =	simm.s32 @p2 $0x368;
	s16 =	simm.s32 @p3 $0x7F80  }
0x23: {  	s15 =	ssub.s32 @!p1 s17, s15;
	s14 =	ssub.s32 @!p1 s16, s14  }
0x24: {  	s18 =	smov.u32 s12;
	s16 =	sadd.s32 @!p1 $0xFFFFFC98, s15;
	s17 =	sadd.s32 @!p1 $0xFFFF8080, s14  }
0x25: {  	s15 =	ssub.s32 @!p1 $0x3E8, s15;
	p2 =	sgt.s32 @!p1 s16, $0x7F;
	p3 =	sgt.s32 @!p1 s17, $0x7F  }
0x26: {  	s14 =	ssub.s32 @!p1 $0x8000, s14;
	p2 =	por !p2, p1;
	p3 =	por !p3, p1  }
0x27: {  	s16 =	sadd.s32 $0x80, s11;
	s15 =	simm.s32 @!p2 $0x0;
	s14 =	simm.s32 @!p3 $0x0  }
0x28: {  	p2 =	sgt.s32 s16, $0x3E7;
	s14 =	smul.u32 @!p1 s14, s15;
	s15 =	sadd.s32 $0x1000, s12  }
0x29: {  	s18 =	smov.u32 @p2 s15  }
0x2a: {  	s16 =	simm.s32 @p2 $0x0;
	p2 =	sgt.s32 s18, $0x7FFF  }
0x2b: {  	s18 =	smov.u32 @p2 s2;
	p2 =	sne.s32 s13, s7  }
.Ltmp1:
0x2c: {  	p0 =	por !p0, !p0;
	s17 =	simm.s32 @!p1 $0x2;
	(pc) =	sbr.rel @!p2 .LBB1_6-.Ltmp1, $4  }
0x2d: {  	s15 =	smov.u32 s9;
	s9 =	smov.u32 s11;
	s14 =	sand.u32 @!p1 $0x3FFFFFFF, s14  }
0x2e: {  	s11 =	smov.u32 s16;
	_ =	swait.ge @!p1 [sflag:s17], s14;
	s19 =	ssub.s32 @!p1 $0x0, s14  }
0x2f: {  	s14 =	smov.u32 s10;
	s13 =	sadd.s32 $0x1, s13;
	[sflag:s17] =	ssyncset.done @!p1 $0x0  }
0x30: {  	s10 =	smov.u32 s12;
	s12 =	smov.u32 s18;
	[sflag:s17] =	ssyncadd.s32 @!p1 s19  }
.LBB1_1:
0x31: {  	p1 =	sge.u32 s13, s6  }
0x32: {  	s31 =	sadd.s32 $0xFFFFFFFF, s13;
	s16 =	sshll.u32 @!p1 s12, $0xA  }
0x33: {  	s17 =	sshll.u32 @!p1 s11, $0x3;
	s18 =	sshll.u32 @!p1 s12, $0x7;
	s16 =	sand.u32 @!p1 $0x1FFE000, s16  }
0x34: {  	s19 =	sand.u32 @!p1 $0x78, s11;
	s16 =	sadd.s32 @!p1 s16, s17;
	s17 =	sand.u32 @!p1 $0x380, s18  }
0x35: {  	s18 =	sxor.u32 @!p1 $0xFFFFFFFF, s13;
	s16 =	sand.u32 @!p1 $0x1FFFC00, s16;
	s17 =	sor.u32 @!p1 s17, s19  }
0x36: {  	s18 =	sshll.u32 @!p1 s18, $0xE;
	s16 =	sor.u32 @!p1 s16, s17;
	s17 =	sand.u32 @!p1 $0x7, s11  }
0x37: {  	s19 =	simm.s32 @!p1 $0x2000;
	s16 =	sshrl.u32 @!p1 s16, $0x3;
	s17 =	sshll.u32 @!p1 s17, $0x12  }
0x38: {  	s18 =	sand.u32 @!p1 $0x4000, s18;
	s16 =	sadd.s32 @!p1 s5, s16;
	s17 =	sor.u32 @!p1 $0x400, s17  }
0x39: {  	[tilespmem:s18], [sflag:$0x1] =	stream.strided.gather @!p1 [hbm4b:s16+s17], $0x4000, s19, s17, $0x38;
	[tilespmem:$0x10100] =	vst v63  }
0x3a: {  	p1 =	sge.u32 s31, s6  }
.Ltmp2:
0x3b: {  	_ = 	snop;
	(pc) =	sbr.rel @p1 .LBB1_5-.Ltmp2, $1  }
0x3c: {  	_ =	sdelay $0x3  }
0x3d: {  	s16 =	simm.s32 $0x1  }
0x3e: {  	_ =	swait.ge [sflag:s4], $0x4000;
	s16 =	simm.s32 @!p0 $0x0  }
0x3f: {  	[sflag:s4] =	ssyncset.done $0x0;
	s17 =	sshll.u32 s16, $0xE  }
0x40: {  	[sflag:s4] =	ssyncadd.s32 $0xFFFFC000;
	s17 =	sor.u32 $0x40, s17  }
0x41: {  	s16 =	smul.u32 $0x10200, s16;
	v0 =	vld [tilespmem:s17+$0x30]  }
0x42: {  	v1 =	vld [tilespmem:s17+$0xFFFFFFD0]  }
0x43: {  	s16 =	sshrl.u32 s16, $0x2;
	v5 =	vld [tilespmem:s17+$0xFFFFFFE0]  }
0x44: {  	v6 =	vld [tilespmem:s17+$0xFFFFFFF0];
	s19 =	sor.u32 $0x8000, s16  }
0x45: {  	s31 =	sand.u32 $0x1, s13;
	v4 =	vld [tilespmem:s17+$0x0];
	s18 =	sadd.s32 $0x0, s19  }
0x46: {  	v3 =	vld [tilespmem:s17+$0x10];
	s16 =	smul.u32 $0x10200, s31;
	[tilespmem:s18+$0x3870 ss:$0x81] =	vst.msk $0xffff, v0  }
0x47: {  	v2 =	vld [tilespmem:s17+$0x20];
	[tilespmem:s18+$0x810 ss:$0x81] =	vst.msk $0xffff, v1  }
0x48: {  	s16 =	sshrl.u32 s16, $0x2;
	v1 =	vld [tilespmem:s17+$0xFFFFFFC0];
	[tilespmem:s18+$0x1020 ss:$0x81] =	vst.msk $0xffff, v5;
	s17 =	sadd.s32 $0x80, s17  }
0x49: {  	s20 =	simm.s32 $0x4;
	s21 =	simm.s32 $0x8;
	s16 =	sor.u32 $0x8000, s16;
	[tilespmem:s18+$0x1830 ss:$0x81] =	vst.msk $0xffff, v6;
	v0 =	vld [tilespmem:s17+$0x30]  }
.LBB1_3:
0x4a: {  	p1 =	sne.s32 s21, $0x1FC;
	v5 =	vld [tilespmem:s17+$0xFFFFFFD0];
	[tilespmem:s18+$0x2040 ss:$0x81] =	vst.msk $0xffff, v4  }
0x4b: {  	v6 =	vld [tilespmem:s17+$0xFFFFFFE0];
	[tilespmem:s18+$0x2850 ss:$0x81] =	vst.msk $0xffff, v3  }
0x4c: {  	s22 =	sshra.s32 s20, $0x2;
	s20 =	smov.u32 s21;
	v7 =	vld [tilespmem:s17+$0xFFFFFFF0];
	[tilespmem:s18+$0x3060 ss:$0x81] =	vst.msk $0xffff, v2  }
.Ltmp3:
0x4d: {  	v4 =	vld [tilespmem:s17+$0x0];
	[tilespmem:s18+$0x0 ss:$0x81] =	vst.msk $0xffff, v1;
	s18 =	sadd.s32 s22, s19;
	(pc) =	sbr.rel @p1 .LBB1_3-.Ltmp3, $4  }
0x4e: {  	v3 =	vld [tilespmem:s17+$0x10];
	[tilespmem:s18+$0x3870 ss:$0x81] =	vst.msk $0xffff, v0  }
0x4f: {  	[tilespmem:s18+$0x810 ss:$0x81] =	vst.msk $0xffff, v5;
	v2 =	vld [tilespmem:s17+$0x20]  }
0x50: {  	v1 =	vld [tilespmem:s17+$0xFFFFFFC0];
	[tilespmem:s18+$0x1020 ss:$0x81] =	vst.msk $0xffff, v6;
	s17 =	sadd.s32 $0x80, s17  }
0x51: {  	s21 =	sadd.s32 $0x4, s21;
	v0 =	vld [tilespmem:s17+$0x30];
	[tilespmem:s18+$0x1830 ss:$0x81] =	vst.msk $0xffff, v7  }
.Ltmp4:
0x52: {  	_ = 	snop;
	(pc) =	sbr.rel .LBB1_4-.Ltmp4, $1  }
0x53: {  	_ =	sdelay $0x3  }
.LBB1_6:
0x54: {  	_ =	sfence.sel $0x180000  }
0x55: {  	s2 =	simm.s32 $0x1;
	[bflag:$0x0] =	sbarrier.arrive $0xFFFF  }
0x56: {  	s31 =	simm.s32 $0x2;
	[sflag:s2] =	ssyncpa.u1 $0x1  }
0x57: {  	[sflag:s31] =	ssyncpa.u1 $0x1  }
0x58: {  	p0 =	sne.s32 s0, $0x0;
	_ =	strace $0x9000004A  }
0x59: {  	s0 =	sadd.s32 @!p0 $0x100000, s1;
	[bflag:$0x2] =	sbarrier.arrive $0xFFFF  }
0x5a: {  	[sflag:s0] =	ssyncadd.tile.s32 @!p0 $0x1;
	_ =	shalt  }
.Lfunc_end1:
_tile_overlayer_lowered:
.L_overlay_start_2:
0x5b: {  	(tag) =	ssettag $0x2  }
0x5c: {  	s0 =	rddreg [dreg:$0x0];
	s2 =	stileid.u32  }
0x5d: {  	s1 =	rddreg [dreg:$0x1];
	p0 =	sne.s32 s2, $0x0  }
0x5e: {  	s3 =	rddreg [dreg:$0x2];
	[bflag:$0x3] =	sbarrier.arrive $0xFFFF;
	s2 =	simm.s32 @!p0 $0x1C01  }
0x5f: {  	[timem:s3], [sflag:s2] =	dma.local @!p0 [hbm:s0], s1  }
0x60: {  	s0 =	simm.s32 @!p0 $0x1  }
0x61: {  	_ =	swait.ge @!p0 [sflag:s0], s1  }
0x62: {  	s1 =	ssub.s32 @!p0 $0x0, s1;
	[sflag:s0] =	ssyncset.done @!p0 $0x0  }
0x63: {  	[sflag:s0] =	ssyncadd.s32 @!p0 s1  }
0x64: {  	[bflag:$0x3] =	sbarrier.arrive $0xFFFF  }
0x65: {  	_ =	shalt  }

</sc_bundles>
